<compile_context>
chip_gen: v7x
topology: tpu7x:2x2x1
jax: 0.10.2.dev20260603
libtpu: 0.0.44.dev20260713+nightly
codegen_flags: <defaults>
</compile_context>

<pallas_src>
import jax
import jax.numpy as jnp
from jax import lax
from jax.experimental import pallas as pl
from jax.experimental.pallas import tpu as pltpu
from jax.experimental.pallas import tpu_sc as plsc

D_MODEL = 1024
SEQ = 2048
BATCH = 4
LANES = 16

_NC = 2
_NS = 16
_NW = _NC * _NS
_SPW = SEQ // _NW
_C = 4
_NCHUNK = _SPW // _C
_G = _NCHUNK // 2


def _sc_body(x_hbm, pos_hbm, out_hbm,
             xb0, xb1, pb0, pb1, ob0, ob1,
             sx0, sx1, sp0, sp1, so0, so1):
    wid = lax.axis_index("c") * _NS + lax.axis_index("s")
    base = wid * _SPW
    xbufs, pbufs, obufs = (xb0, xb1), (pb0, pb1), (ob0, ob1)
    sxs, sps, sos = (sx0, sx1), (sp0, sp1), (so0, so1)

    def issue_in(ci, b):
        s0 = base + ci * _C
        pltpu.async_copy(x_hbm.at[pl.ds(s0, _C)], xbufs[b], sxs[b])
        pltpu.async_copy(pos_hbm.at[pl.ds(s0, _C)], pbufs[b], sps[b])

    issue_in(0, 0)
    issue_in(1, 1)

    def g_body(g, carry):
        for b in range(2):
            ci = g * 2 + b
            s0 = base + ci * _C
            pltpu.make_async_copy(
                x_hbm.at[pl.ds(s0, _C)], xbufs[b], sxs[b]).wait()
            pltpu.make_async_copy(
                pos_hbm.at[pl.ds(s0, _C)], pbufs[b], sps[b]).wait()

            @pl.when(g >= 1)
            def _wait_prev_out(b=b, s0=s0):
                pltpu.make_async_copy(
                    obufs[b], out_hbm.at[pl.ds(s0, _C)], sos[b]).wait()

            @plsc.parallel_loop(0, D_MODEL // LANES, 1, unroll=1)
            def _k(k, b=b):
                d0 = k * LANES
                for j in range(_C):
                    p = pbufs[b][j, pl.ds(d0, LANES)]
                    for bb in range(BATCH):
                        obufs[b][j, bb, pl.ds(d0, LANES)] = (
                            xbufs[b][j, bb, pl.ds(d0, LANES)] + p)
            pltpu.async_copy(obufs[b], out_hbm.at[pl.ds(s0, _C)], sos[b])

            @pl.when(g < _G - 1)
            def _prefetch(ci=ci, b=b):
                issue_in(ci + 2, b)
        return carry

    lax.fori_loop(0, _G, g_body, 0)
    for b in range(2):
        s0 = base + (_NCHUNK - 2 + b) * _C
        pltpu.make_async_copy(
            obufs[b], out_hbm.at[pl.ds(s0, _C)], sos[b]).wait()


def kernel(x, pos_table):
    mesh = plsc.VectorSubcoreMesh(core_axis_name="c", subcore_axis_name="s")
    run = pl.kernel(
        _sc_body,
        mesh=mesh,
        out_type=jax.ShapeDtypeStruct((SEQ, BATCH, D_MODEL), jnp.float32),
        scratch_types=[
            pltpu.VMEM((_C, BATCH, D_MODEL), jnp.float32),
            pltpu.VMEM((_C, BATCH, D_MODEL), jnp.float32),
            pltpu.VMEM((_C, D_MODEL), jnp.float32),
            pltpu.VMEM((_C, D_MODEL), jnp.float32),
            pltpu.VMEM((_C, BATCH, D_MODEL), jnp.float32),
            pltpu.VMEM((_C, BATCH, D_MODEL), jnp.float32),
            pltpu.SemaphoreType.DMA,
            pltpu.SemaphoreType.DMA,
            pltpu.SemaphoreType.DMA,
            pltpu.SemaphoreType.DMA,
            pltpu.SemaphoreType.DMA,
            pltpu.SemaphoreType.DMA,
        ],
    )
    return run(x, pos_table)

# --- scband reference (transcript-rebuilt; emitter-appended) ---
"""Pipeline reference for scband-positional-encoding-lut-20126216749173 (READ-ONLY COPY).

The authoritative reference and input builder live on the scoring server;
editing this copy changes nothing except your own understanding.
"""

import jax, jax.numpy as jnp
import numpy as np

D_MODEL = 1024
MAX_LEN = 2048
SEQ = 2048
BATCH = 4

def setup_inputs(seed: int = 0) -> dict:
    key = jax.random.key(seed)
    k_x, k_w = jax.random.split(key)
    x = jax.random.normal(k_x, (SEQ, BATCH, D_MODEL), dtype=jnp.float32)
    # kaiming_normal_ with mode='fan_in' on [max_len, d_model]: fan_in = d_model, std = sqrt(2/fan_in)
    pos_table = jax.random.normal(k_w, (MAX_LEN, D_MODEL), dtype=jnp.float32) * jnp.sqrt(2.0 / D_MODEL)
    return {"x": x, "pos_table": pos_table}

def reference(x, pos_table):
    # position buffer is arange(max_len)[:, None]; forward slices first S rows
    S = x.shape[0]
    pos = jnp.arange(S, dtype=jnp.int32)[:, None]            # [S, 1]
    pe = jnp.take(pos_table, pos, axis=0)                    # [S, 1, d_model] (embedding lookup)
    out = x + pe                                             # broadcast over batch dim
    # dropout is identity in eval mode (deterministic reference)
    return out

if __name__ == "__main__":
    import jax
    _d = setup_inputs()
    print(jax.jit(kernel)(*tuple(_d.values())))

</pallas_src>

<mosaic_0001>
#map = affine_map<(d0, d1) -> (0, 0, 0)>
#map1 = affine_map<(d0, d1) -> (0, 0)>
module attributes {stable_mosaic.version = 14 : i64} {
  func.func @_sc_body(%arg0: i32, %arg1: i32, %arg2: memref<2048x4x1024xf32, #tpu.memory_space<hbm>>, %arg3: memref<2048x1024xf32, #tpu.memory_space<hbm>>, %arg4: memref<2048x4x1024xf32, #tpu.memory_space<hbm>>, %arg5: memref<4x4x1024xf32, #tpu.memory_space<vmem>>, %arg6: memref<4x4x1024xf32, #tpu.memory_space<vmem>>, %arg7: memref<4x1024xf32, #tpu.memory_space<vmem>>, %arg8: memref<4x1024xf32, #tpu.memory_space<vmem>>, %arg9: memref<4x4x1024xf32, #tpu.memory_space<vmem>>, %arg10: memref<4x4x1024xf32, #tpu.memory_space<vmem>>, %arg11: memref<!tpu.dma_semaphore, #tpu.memory_space<semaphore_mem>>, %arg12: memref<!tpu.dma_semaphore, #tpu.memory_space<semaphore_mem>>, %arg13: memref<!tpu.dma_semaphore, #tpu.memory_space<semaphore_mem>>, %arg14: memref<!tpu.dma_semaphore, #tpu.memory_space<semaphore_mem>>, %arg15: memref<!tpu.dma_semaphore, #tpu.memory_space<semaphore_mem>>, %arg16: memref<!tpu.dma_semaphore, #tpu.memory_space<semaphore_mem>>) attributes {dimension_semantics = [#tpu.dimension_semantics<core_parallel>, #tpu.dimension_semantics<subcore_parallel>], iteration_bounds = array<i64: 2, 16>, scalar_prefetch = 0 : i64, scratch_operands = 12 : i64, tpu.core_type = #tpu.core_type<sc_vector_subcore>, window_params = [{transform_indices = #map}, {transform_indices = #map1}, {transform_indices = #map}]} {
    %mul3A = arith.constant 16 : i32
    %mul3A_0 = arith.muli %arg0, %mul3A : i32
    %add3A = arith.addi %mul3A_0, %arg1 : i32
    %mul3A_1 = arith.constant 64 : i32
    %mul3A_2 = arith.muli %add3A, %mul3A_1 : i32
    %add3A_3 = arith.constant 0 : i32
    %add3A_4 = arith.addi %mul3A_2, %add3A_3 : i32
    %dma_start3A = arith.constant 0 : i32
    %dma_start3A_5 = arith.constant 0 : i32
    %dma_start3A_6 = tpu.memref_slice %arg2[%add3A_4, %dma_start3A, %dma_start3A_5] : memref<2048x4x1024xf32, #tpu.memory_space<hbm>> -> memref<4x4x1024xf32, #tpu.memory_space<hbm>>
    %dma_start3A_7 = arith.constant 0 : i32
    %dma_start3A_8 = arith.constant 0 : i32
    %dma_start3A_9 = tpu.memref_slice %arg2[%add3A_4, %dma_start3A_7, %dma_start3A_8] : memref<2048x4x1024xf32, #tpu.memory_space<hbm>> -> memref<4x4x1024xf32, #tpu.memory_space<hbm>>
    tpu.enqueue_dma source(%dma_start3A_9 : memref<4x4x1024xf32, #tpu.memory_space<hbm>>) target(%arg5 : memref<4x4x1024xf32, #tpu.memory_space<vmem>>) target_semaphore(%arg11 : memref<!tpu.dma_semaphore, #tpu.memory_space<semaphore_mem>>)
    %dma_start3A_10 = arith.constant 0 : i32
    %dma_start3A_11 = tpu.memref_slice %arg3[%add3A_4, %dma_start3A_10] : memref<2048x1024xf32, #tpu.memory_space<hbm>> -> memref<4x1024xf32, #tpu.memory_space<hbm>>
    %dma_start3A_12 = arith.constant 0 : i32
    %dma_start3A_13 = tpu.memref_slice %arg3[%add3A_4, %dma_start3A_12] : memref<2048x1024xf32, #tpu.memory_space<hbm>> -> memref<4x1024xf32, #tpu.memory_space<hbm>>
    tpu.enqueue_dma source(%dma_start3A_13 : memref<4x1024xf32, #tpu.memory_space<hbm>>) target(%arg7 : memref<4x1024xf32, #tpu.memory_space<vmem>>) target_semaphore(%arg13 : memref<!tpu.dma_semaphore, #tpu.memory_space<semaphore_mem>>)
    %add3A_14 = arith.constant 4 : i32
    %add3A_15 = arith.addi %mul3A_2, %add3A_14 : i32
    %dma_start3A_16 = arith.constant 0 : i32
    %dma_start3A_17 = arith.constant 0 : i32
    %dma_start3A_18 = tpu.memref_slice %arg2[%add3A_15, %dma_start3A_16, %dma_start3A_17] : memref<2048x4x1024xf32, #tpu.memory_space<hbm>> -> memref<4x4x1024xf32, #tpu.memory_space<hbm>>
    %dma_start3A_19 = arith.constant 0 : i32
    %dma_start3A_20 = arith.constant 0 : i32
    %dma_start3A_21 = tpu.memref_slice %arg2[%add3A_15, %dma_start3A_19, %dma_start3A_20] : memref<2048x4x1024xf32, #tpu.memory_space<hbm>> -> memref<4x4x1024xf32, #tpu.memory_space<hbm>>
    tpu.enqueue_dma source(%dma_start3A_21 : memref<4x4x1024xf32, #tpu.memory_space<hbm>>) target(%arg6 : memref<4x4x1024xf32, #tpu.memory_space<vmem>>) target_semaphore(%arg12 : memref<!tpu.dma_semaphore, #tpu.memory_space<semaphore_mem>>)
    %dma_start3A_22 = arith.constant 0 : i32
    %dma_start3A_23 = tpu.memref_slice %arg3[%add3A_15, %dma_start3A_22] : memref<2048x1024xf32, #tpu.memory_space<hbm>> -> memref<4x1024xf32, #tpu.memory_space<hbm>>
    %dma_start3A_24 = arith.constant 0 : i32
    %dma_start3A_25 = tpu.memref_slice %arg3[%add3A_15, %dma_start3A_24] : memref<2048x1024xf32, #tpu.memory_space<hbm>> -> memref<4x1024xf32, #tpu.memory_space<hbm>>
    tpu.enqueue_dma source(%dma_start3A_25 : memref<4x1024xf32, #tpu.memory_space<hbm>>) target(%arg8 : memref<4x1024xf32, #tpu.memory_space<vmem>>) target_semaphore(%arg14 : memref<!tpu.dma_semaphore, #tpu.memory_space<semaphore_mem>>)
    %scan3A = arith.constant 0 : i32
    %scan3A_26 = arith.constant 0 : i32
    %scan3A_27 = arith.constant 8 : i32
    %scan3A_28 = arith.addi %scan3A_26, %scan3A_27 : i32
    %scan3A_29 = arith.constant 1 : i32
    scf.for %scan3A_46 = %scan3A_26 to %scan3A_28 step %scan3A_29  : i32 {
      %mul3A_47 = arith.constant 2 : i32
      %mul3A_48 = arith.muli %scan3A_46, %mul3A_47 : i32
      %add3A_49 = arith.constant 0 : i32
      %add3A_50 = arith.addi %mul3A_48, %add3A_49 : i32
      %mul3A_51 = arith.constant 4 : i32
      %mul3A_52 = arith.muli %add3A_50, %mul3A_51 : i32
      %add3A_53 = arith.addi %mul3A_2, %mul3A_52 : i32
      %dma_wait3A_54 = arith.constant 0 : i32
      %dma_wait3A_55 = arith.constant 0 : i32
      %dma_wait3A_56 = tpu.memref_slice %arg2[%add3A_53, %dma_wait3A_54, %dma_wait3A_55] : memref<2048x4x1024xf32, #tpu.memory_space<hbm>> -> memref<4x4x1024xf32, #tpu.memory_space<hbm>>
      %dma_wait3A_57 = arith.constant 0 : i32
      %dma_wait3A_58 = arith.constant 0 : i32
      %dma_wait3A_59 = tpu.memref_slice %arg2[%add3A_53, %dma_wait3A_57, %dma_wait3A_58] : memref<2048x4x1024xf32, #tpu.memory_space<hbm>> -> memref<4x4x1024xf32, #tpu.memory_space<hbm>>
      tpu.wait_dma2 semaphore(%arg11 : memref<!tpu.dma_semaphore, #tpu.memory_space<semaphore_mem>>) src(%dma_wait3A_59 : memref<4x4x1024xf32, #tpu.memory_space<hbm>>) dst(%arg5 : memref<4x4x1024xf32, #tpu.memory_space<vmem>>)
      %dma_wait3A_60 = arith.constant 0 : i32
      %dma_wait3A_61 = tpu.memref_slice %arg3[%add3A_53, %dma_wait3A_60] : memref<2048x1024xf32, #tpu.memory_space<hbm>> -> memref<4x1024xf32, #tpu.memory_space<hbm>>
      %dma_wait3A_62 = arith.constant 0 : i32
      %dma_wait3A_63 = tpu.memref_slice %arg3[%add3A_53, %dma_wait3A_62] : memref<2048x1024xf32, #tpu.memory_space<hbm>> -> memref<4x1024xf32, #tpu.memory_space<hbm>>
      tpu.wait_dma2 semaphore(%arg13 : memref<!tpu.dma_semaphore, #tpu.memory_space<semaphore_mem>>) src(%dma_wait3A_63 : memref<4x1024xf32, #tpu.memory_space<hbm>>) dst(%arg7 : memref<4x1024xf32, #tpu.memory_space<vmem>>)
      %ge3A = arith.constant 1 : i32
      %ge3A_64 = arith.cmpi sge, %scan3A_46, %ge3A : i32
      %convert_element_type3A = arith.extui %ge3A_64 : i1 to i32
      %cond3A = arith.constant 0 : i32
      %cond3A_65 = arith.cmpi ne, %convert_element_type3A, %cond3A : i32
      scf.if %cond3A_65 {
        %dma_wait3A_114 = arith.constant 0 : i32
        %dma_wait3A_115 = arith.constant 0 : i32
        %dma_wait3A_116 = tpu.memref_slice %arg4[%add3A_53, %dma_wait3A_114, %dma_wait3A_115] : memref<2048x4x1024xf32, #tpu.memory_space<hbm>> -> memref<4x4x1024xf32, #tpu.memory_space<hbm>>
        %dma_wait3A_117 = arith.constant 0 : i32
        %dma_wait3A_118 = arith.constant 0 : i32
        %dma_wait3A_119 = tpu.memref_slice %arg4[%add3A_53, %dma_wait3A_117, %dma_wait3A_118] : memref<2048x4x1024xf32, #tpu.memory_space<hbm>> -> memref<4x4x1024xf32, #tpu.memory_space<hbm>>
        tpu.wait_dma2 semaphore(%arg15 : memref<!tpu.dma_semaphore, #tpu.memory_space<semaphore_mem>>) src(%arg9 : memref<4x4x1024xf32, #tpu.memory_space<vmem>>) dst(%dma_wait3A_119 : memref<4x4x1024xf32, #tpu.memory_space<hbm>>)
      } else {
      }
      %parallel_loop3A = arith.constant 0 : i32
      %parallel_loop3A_66 = arith.constant 64 : i32
      %parallel_loop3A_67 = arith.constant 1 : i32
      scf.for %parallel_loop3A_114 = %parallel_loop3A to %parallel_loop3A_66 step %parallel_loop3A_67  : i32 {
        %parallel_loop3A_115 = arith.constant 16 : i32
        %parallel_loop3A_116 = arith.muli %parallel_loop3A_114, %parallel_loop3A_115 : i32
        %parallel_loop3A_117 = arith.constant 0 : i32
        %parallel_loop3A_118 = arith.index_cast %parallel_loop3A_117 : i32 to index
        %parallel_loop3A_119 = arith.index_cast %parallel_loop3A_116 : i32 to index
        %parallel_loop3A_120 = tpu.vector_load %arg7[%parallel_loop3A_118, %parallel_loop3A_119] {strides = array<i32>} : memref<4x1024xf32, #tpu.memory_space<vmem>>, vector<1x16xf32>,
        %parallel_loop3A_121 = vector.shape_cast %parallel_loop3A_120 : vector<1x16xf32> to vector<16xf32>
        %parallel_loop3A_122 = arith.constant 0 : i32
        %parallel_loop3A_123 = arith.constant 0 : i32
        %parallel_loop3A_124 = arith.index_cast %parallel_loop3A_122 : i32 to index
        %parallel_loop3A_125 = arith.index_cast %parallel_loop3A_123 : i32 to index
        %parallel_loop3A_126 = arith.index_cast %parallel_loop3A_116 : i32 to index
        %parallel_loop3A_127 = tpu.vector_load %arg5[%parallel_loop3A_124, %parallel_loop3A_125, %parallel_loop3A_126] {strides = array<i32>} : memref<4x4x1024xf32, #tpu.memory_space<vmem>>, vector<1x1x16xf32>,
        %parallel_loop3A_128 = vector.shape_cast %parallel_loop3A_127 : vector<1x1x16xf32> to vector<16xf32>
        %parallel_loop3A_129 = arith.addf %parallel_loop3A_128, %parallel_loop3A_121 : vector<16xf32>
        %parallel_loop3A_130 = arith.constant 0 : i32
        %parallel_loop3A_131 = arith.constant 0 : i32
        %parallel_loop3A_132 = arith.index_cast %parallel_loop3A_130 : i32 to index
        %parallel_loop3A_133 = arith.index_cast %parallel_loop3A_131 : i32 to index
        %parallel_loop3A_134 = arith.index_cast %parallel_loop3A_116 : i32 to index
        %parallel_loop3A_135 = tpu.vector_load %arg9[%parallel_loop3A_132, %parallel_loop3A_133, %parallel_loop3A_134] {strides = array<i32>} : memref<4x4x1024xf32, #tpu.memory_space<vmem>>, vector<1x1x16xf32>,
        %parallel_loop3A_136 = vector.shape_cast %parallel_loop3A_135 : vector<1x1x16xf32> to vector<16xf32>
        %parallel_loop3A_137 = vector.shape_cast %parallel_loop3A_129 : vector<16xf32> to vector<1x1x16xf32>
        tpu.vector_store %arg9[%parallel_loop3A_132, %parallel_loop3A_133, %parallel_loop3A_134], %parallel_loop3A_137 {strides = array<i32>} : memref<4x4x1024xf32, #tpu.memory_space<vmem>>, vector<1x1x16xf32>,
        %parallel_loop3A_138 = arith.constant 0 : i32
        %parallel_loop3A_139 = arith.constant 1 : i32
        %parallel_loop3A_140 = arith.index_cast %parallel_loop3A_138 : i32 to index
        %parallel_loop3A_141 = arith.index_cast %parallel_loop3A_139 : i32 to index
        %parallel_loop3A_142 = arith.index_cast %parallel_loop3A_116 : i32 to index
        %parallel_loop3A_143 = tpu.vector_load %arg5[%parallel_loop3A_140, %parallel_loop3A_141, %parallel_loop3A_142] {strides = array<i32>} : memref<4x4x1024xf32, #tpu.memory_space<vmem>>, vector<1x1x16xf32>,
        %parallel_loop3A_144 = vector.shape_cast %parallel_loop3A_143 : vector<1x1x16xf32> to vector<16xf32>
        %parallel_loop3A_145 = arith.addf %parallel_loop3A_144, %parallel_loop3A_121 : vector<16xf32>
        %parallel_loop3A_146 = arith.constant 0 : i32
        %parallel_loop3A_147 = arith.constant 1 : i32
        %parallel_loop3A_148 = arith.index_cast %parallel_loop3A_146 : i32 to index
        %parallel_loop3A_149 = arith.index_cast %parallel_loop3A_147 : i32 to index
        %parallel_loop3A_150 = arith.index_cast %parallel_loop3A_116 : i32 to index
        %parallel_loop3A_151 = tpu.vector_load %arg9[%parallel_loop3A_148, %parallel_loop3A_149, %parallel_loop3A_150] {strides = array<i32>} : memref<4x4x1024xf32, #tpu.memory_space<vmem>>, vector<1x1x16xf32>,
        %parallel_loop3A_152 = vector.shape_cast %parallel_loop3A_151 : vector<1x1x16xf32> to vector<16xf32>
        %parallel_loop3A_153 = vector.shape_cast %parallel_loop3A_145 : vector<16xf32> to vector<1x1x16xf32>
        tpu.vector_store %arg9[%parallel_loop3A_148, %parallel_loop3A_149, %parallel_loop3A_150], %parallel_loop3A_153 {strides = array<i32>} : memref<4x4x1024xf32, #tpu.memory_space<vmem>>, vector<1x1x16xf32>,
        %parallel_loop3A_154 = arith.constant 0 : i32
        %parallel_loop3A_155 = arith.constant 2 : i32
        %parallel_loop3A_156 = arith.index_cast %parallel_loop3A_154 : i32 to index
        %parallel_loop3A_157 = arith.index_cast %parallel_loop3A_155 : i32 to index
        %parallel_loop3A_158 = arith.index_cast %parallel_loop3A_116 : i32 to index
        %parallel_loop3A_159 = tpu.vector_load %arg5[%parallel_loop3A_156, %parallel_loop3A_157, %parallel_loop3A_158] {strides = array<i32>} : memref<4x4x1024xf32, #tpu.memory_space<vmem>>, vector<1x1x16xf32>,
        %parallel_loop3A_160 = vector.shape_cast %parallel_loop3A_159 : vector<1x1x16xf32> to vector<16xf32>
        %parallel_loop3A_161 = arith.addf %parallel_loop3A_160, %parallel_loop3A_121 : vector<16xf32>
        %parallel_loop3A_162 = arith.constant 0 : i32
        %parallel_loop3A_163 = arith.constant 2 : i32
        %parallel_loop3A_164 = arith.index_cast %parallel_loop3A_162 : i32 to index
        %parallel_loop3A_165 = arith.index_cast %parallel_loop3A_163 : i32 to index
        %parallel_loop3A_166 = arith.index_cast %parallel_loop3A_116 : i32 to index
        %parallel_loop3A_167 = tpu.vector_load %arg9[%parallel_loop3A_164, %parallel_loop3A_165, %parallel_loop3A_166] {strides = array<i32>} : memref<4x4x1024xf32, #tpu.memory_space<vmem>>, vector<1x1x16xf32>,
        %parallel_loop3A_168 = vector.shape_cast %parallel_loop3A_167 : vector<1x1x16xf32> to vector<16xf32>
        %parallel_loop3A_169 = vector.shape_cast %parallel_loop3A_161 : vector<16xf32> to vector<1x1x16xf32>
        tpu.vector_store %arg9[%parallel_loop3A_164, %parallel_loop3A_165, %parallel_loop3A_166], %parallel_loop3A_169 {strides = array<i32>} : memref<4x4x1024xf32, #tpu.memory_space<vmem>>, vector<1x1x16xf32>,
        %parallel_loop3A_170 = arith.constant 0 : i32
        %parallel_loop3A_171 = arith.constant 3 : i32
        %parallel_loop3A_172 = arith.index_cast %parallel_loop3A_170 : i32 to index
        %parallel_loop3A_173 = arith.index_cast %parallel_loop3A_171 : i32 to index
        %parallel_loop3A_174 = arith.index_cast %parallel_loop3A_116 : i32 to index
        %parallel_loop3A_175 = tpu.vector_load %arg5[%parallel_loop3A_172, %parallel_loop3A_173, %parallel_loop3A_174] {strides = array<i32>} : memref<4x4x1024xf32, #tpu.memory_space<vmem>>, vector<1x1x16xf32>,
        %parallel_loop3A_176 = vector.shape_cast %parallel_loop3A_175 : vector<1x1x16xf32> to vector<16xf32>
        %parallel_loop3A_177 = arith.addf %parallel_loop3A_176, %parallel_loop3A_121 : vector<16xf32>
        %parallel_loop3A_178 = arith.constant 0 : i32
        %parallel_loop3A_179 = arith.constant 3 : i32
        %parallel_loop3A_180 = arith.index_cast %parallel_loop3A_178 : i32 to index
        %parallel_loop3A_181 = arith.index_cast %parallel_loop3A_179 : i32 to index
        %parallel_loop3A_182 = arith.index_cast %parallel_loop3A_116 : i32 to index
        %parallel_loop3A_183 = tpu.vector_load %arg9[%parallel_loop3A_180, %parallel_loop3A_181, %parallel_loop3A_182] {strides = array<i32>} : memref<4x4x1024xf32, #tpu.memory_space<vmem>>, vector<1x1x16xf32>,
        %parallel_loop3A_184 = vector.shape_cast %parallel_loop3A_183 : vector<1x1x16xf32> to vector<16xf32>
        %parallel_loop3A_185 = vector.shape_cast %parallel_loop3A_177 : vector<16xf32> to vector<1x1x16xf32>
        tpu.vector_store %arg9[%parallel_loop3A_180, %parallel_loop3A_181, %parallel_loop3A_182], %parallel_loop3A_185 {strides = array<i32>} : memref<4x4x1024xf32, #tpu.memory_space<vmem>>, vector<1x1x16xf32>,
        %parallel_loop3A_186 = arith.constant 1 : i32
        %parallel_loop3A_187 = arith.index_cast %parallel_loop3A_186 : i32 to index
        %parallel_loop3A_188 = arith.index_cast %parallel_loop3A_116 : i32 to index
        %parallel_loop3A_189 = tpu.vector_load %arg7[%parallel_loop3A_187, %parallel_loop3A_188] {strides = array<i32>} : memref<4x1024xf32, #tpu.memory_space<vmem>>, vector<1x16xf32>,
        %parallel_loop3A_190 = vector.shape_cast %parallel_loop3A_189 : vector<1x16xf32> to vector<16xf32>
        %parallel_loop3A_191 = arith.constant 1 : i32
        %parallel_loop3A_192 = arith.constant 0 : i32
        %parallel_loop3A_193 = arith.index_cast %parallel_loop3A_191 : i32 to index
        %parallel_loop3A_194 = arith.index_cast %parallel_loop3A_192 : i32 to index
        %parallel_loop3A_195 = arith.index_cast %parallel_loop3A_116 : i32 to index
        %parallel_loop3A_196 = tpu.vector_load %arg5[%parallel_loop3A_193, %parallel_loop3A_194, %parallel_loop3A_195] {strides = array<i32>} : memref<4x4x1024xf32, #tpu.memory_space<vmem>>, vector<1x1x16xf32>,
        %parallel_loop3A_197 = vector.shape_cast %parallel_loop3A_196 : vector<1x1x16xf32> to vector<16xf32>
        %parallel_loop3A_198 = arith.addf %parallel_loop3A_197, %parallel_loop3A_190 : vector<16xf32>
        %parallel_loop3A_199 = arith.constant 1 : i32
        %parallel_loop3A_200 = arith.constant 0 : i32
        %parallel_loop3A_201 = arith.index_cast %parallel_loop3A_199 : i32 to index
        %parallel_loop3A_202 = arith.index_cast %parallel_loop3A_200 : i32 to index
        %parallel_loop3A_203 = arith.index_cast %parallel_loop3A_116 : i32 to index
        %parallel_loop3A_204 = tpu.vector_load %arg9[%parallel_loop3A_201, %parallel_loop3A_202, %parallel_loop3A_203] {strides = array<i32>} : memref<4x4x1024xf32, #tpu.memory_space<vmem>>, vector<1x1x16xf32>,
        %parallel_loop3A_205 = vector.shape_cast %parallel_loop3A_204 : vector<1x1x16xf32> to vector<16xf32>
        %parallel_loop3A_206 = vector.shape_cast %parallel_loop3A_198 : vector<16xf32> to vector<1x1x16xf32>
        tpu.vector_store %arg9[%parallel_loop3A_201, %parallel_loop3A_202, %parallel_loop3A_203], %parallel_loop3A_206 {strides = array<i32>} : memref<4x4x1024xf32, #tpu.memory_space<vmem>>, vector<1x1x16xf32>,
        %parallel_loop3A_207 = arith.constant 1 : i32
        %parallel_loop3A_208 = arith.constant 1 : i32
        %parallel_loop3A_209 = arith.index_cast %parallel_loop3A_207 : i32 to index
        %parallel_loop3A_210 = arith.index_cast %parallel_loop3A_208 : i32 to index
        %parallel_loop3A_211 = arith.index_cast %parallel_loop3A_116 : i32 to index
        %parallel_loop3A_212 = tpu.vector_load %arg5[%parallel_loop3A_209, %parallel_loop3A_210, %parallel_loop3A_211] {strides = array<i32>} : memref<4x4x1024xf32, #tpu.memory_space<vmem>>, vector<1x1x16xf32>,
        %parallel_loop3A_213 = vector.shape_cast %parallel_loop3A_212 : vector<1x1x16xf32> to vector<16xf32>
        %parallel_loop3A_214 = arith.addf %parallel_loop3A_213, %parallel_loop3A_190 : vector<16xf32>
        %parallel_loop3A_215 = arith.constant 1 : i32
        %parallel_loop3A_216 = arith.constant 1 : i32
        %parallel_loop3A_217 = arith.index_cast %parallel_loop3A_215 : i32 to index
        %parallel_loop3A_218 = arith.index_cast %parallel_loop3A_216 : i32 to index
        %parallel_loop3A_219 = arith.index_cast %parallel_loop3A_116 : i32 to index
        %parallel_loop3A_220 = tpu.vector_load %arg9[%parallel_loop3A_217, %parallel_loop3A_218, %parallel_loop3A_219] {strides = array<i32>} : memref<4x4x1024xf32, #tpu.memory_space<vmem>>, vector<1x1x16xf32>,
        %parallel_loop3A_221 = vector.shape_cast %parallel_loop3A_220 : vector<1x1x16xf32> to vector<16xf32>
        %parallel_loop3A_222 = vector.shape_cast %parallel_loop3A_214 : vector<16xf32> to vector<1x1x16xf32>
        tpu.vector_store %arg9[%parallel_loop3A_217, %parallel_loop3A_218, %parallel_loop3A_219], %parallel_loop3A_222 {strides = array<i32>} : memref<4x4x1024xf32, #tpu.memory_space<vmem>>, vector<1x1x16xf32>,
        %parallel_loop3A_223 = arith.constant 1 : i32
        %parallel_loop3A_224 = arith.constant 2 : i32
        %parallel_loop3A_225 = arith.index_cast %parallel_loop3A_223 : i32 to index
        %parallel_loop3A_226 = arith.index_cast %parallel_loop3A_224 : i32 to index
        %parallel_loop3A_227 = arith.index_cast %parallel_loop3A_116 : i32 to index
        %parallel_loop3A_228 = tpu.vector_load %arg5[%parallel_loop3A_225, %parallel_loop3A_226, %parallel_loop3A_227] {strides = array<i32>} : memref<4x4x1024xf32, #tpu.memory_space<vmem>>, vector<1x1x16xf32>,
        %parallel_loop3A_229 = vector.shape_cast %parallel_loop3A_228 : vector<1x1x16xf32> to vector<16xf32>
        %parallel_loop3A_230 = arith.addf %parallel_loop3A_229, %parallel_loop3A_190 : vector<16xf32>
        %parallel_loop3A_231 = arith.constant 1 : i32
        %parallel_loop3A_232 = arith.constant 2 : i32
        %parallel_loop3A_233 = arith.index_cast %parallel_loop3A_231 : i32 to index
        %parallel_loop3A_234 = arith.index_cast %parallel_loop3A_232 : i32 to index
        %parallel_loop3A_235 = arith.index_cast %parallel_loop3A_116 : i32 to index
        %parallel_loop3A_236 = tpu.vector_load %arg9[%parallel_loop3A_233, %parallel_loop3A_234, %parallel_loop3A_235] {strides = array<i32>} : memref<4x4x1024xf32, #tpu.memory_space<vmem>>, vector<1x1x16xf32>,
        %parallel_loop3A_237 = vector.shape_cast %parallel_loop3A_236 : vector<1x1x16xf32> to vector<16xf32>
        %parallel_loop3A_238 = vector.shape_cast %parallel_loop3A_230 : vector<16xf32> to vector<1x1x16xf32>
        tpu.vector_store %arg9[%parallel_loop3A_233, %parallel_loop3A_234, %parallel_loop3A_235], %parallel_loop3A_238 {strides = array<i32>} : memref<4x4x1024xf32, #tpu.memory_space<vmem>>, vector<1x1x16xf32>,
        %parallel_loop3A_239 = arith.constant 1 : i32
        %parallel_loop3A_240 = arith.constant 3 : i32
        %parallel_loop3A_241 = arith.index_cast %parallel_loop3A_239 : i32 to index
        %parallel_loop3A_242 = arith.index_cast %parallel_loop3A_240 : i32 to index
        %parallel_loop3A_243 = arith.index_cast %parallel_loop3A_116 : i32 to index
        %parallel_loop3A_244 = tpu.vector_load %arg5[%parallel_loop3A_241, %parallel_loop3A_242, %parallel_loop3A_243] {strides = array<i32>} : memref<4x4x1024xf32, #tpu.memory_space<vmem>>, vector<1x1x16xf32>,
        %parallel_loop3A_245 = vector.shape_cast %parallel_loop3A_244 : vector<1x1x16xf32> to vector<16xf32>
        %parallel_loop3A_246 = arith.addf %parallel_loop3A_245, %parallel_loop3A_190 : vector<16xf32>
        %parallel_loop3A_247 = arith.constant 1 : i32
        %parallel_loop3A_248 = arith.constant 3 : i32
        %parallel_loop3A_249 = arith.index_cast %parallel_loop3A_247 : i32 to index
        %parallel_loop3A_250 = arith.index_cast %parallel_loop3A_248 : i32 to index
        %parallel_loop3A_251 = arith.index_cast %parallel_loop3A_116 : i32 to index
        %parallel_loop3A_252 = tpu.vector_load %arg9[%parallel_loop3A_249, %parallel_loop3A_250, %parallel_loop3A_251] {strides = array<i32>} : memref<4x4x1024xf32, #tpu.memory_space<vmem>>, vector<1x1x16xf32>,
        %parallel_loop3A_253 = vector.shape_cast %parallel_loop3A_252 : vector<1x1x16xf32> to vector<16xf32>
        %parallel_loop3A_254 = vector.shape_cast %parallel_loop3A_246 : vector<16xf32> to vector<1x1x16xf32>
        tpu.vector_store %arg9[%parallel_loop3A_249, %parallel_loop3A_250, %parallel_loop3A_251], %parallel_loop3A_254 {strides = array<i32>} : memref<4x4x1024xf32, #tpu.memory_space<vmem>>, vector<1x1x16xf32>,
        %parallel_loop3A_255 = arith.constant 2 : i32
        %parallel_loop3A_256 = arith.index_cast %parallel_loop3A_255 : i32 to index
        %parallel_loop3A_257 = arith.index_cast %parallel_loop3A_116 : i32 to index
        %parallel_loop3A_258 = tpu.vector_load %arg7[%parallel_loop3A_256, %parallel_loop3A_257] {strides = array<i32>} : memref<4x1024xf32, #tpu.memory_space<vmem>>, vector<1x16xf32>,
        %parallel_loop3A_259 = vector.shape_cast %parallel_loop3A_258 : vector<1x16xf32> to vector<16xf32>
        %parallel_loop3A_260 = arith.constant 2 : i32
        %parallel_loop3A_261 = arith.constant 0 : i32
        %parallel_loop3A_262 = arith.index_cast %parallel_loop3A_260 : i32 to index
        %parallel_loop3A_263 = arith.index_cast %parallel_loop3A_261 : i32 to index
        %parallel_loop3A_264 = arith.index_cast %parallel_loop3A_116 : i32 to index
        %parallel_loop3A_265 = tpu.vector_load %arg5[%parallel_loop3A_262, %parallel_loop3A_263, %parallel_loop3A_264] {strides = array<i32>} : memref<4x4x1024xf32, #tpu.memory_space<vmem>>, vector<1x1x16xf32>,
        %parallel_loop3A_266 = vector.shape_cast %parallel_loop3A_265 : vector<1x1x16xf32> to vector<16xf32>
        %parallel_loop3A_267 = arith.addf %parallel_loop3A_266, %parallel_loop3A_259 : vector<16xf32>
        %parallel_loop3A_268 = arith.constant 2 : i32
        %parallel_loop3A_269 = arith.constant 0 : i32
        %parallel_loop3A_270 = arith.index_cast %parallel_loop3A_268 : i32 to index
        %parallel_loop3A_271 = arith.index_cast %parallel_loop3A_269 : i32 to index
        %parallel_loop3A_272 = arith.index_cast %parallel_loop3A_116 : i32 to index
        %parallel_loop3A_273 = tpu.vector_load %arg9[%parallel_loop3A_270, %parallel_loop3A_271, %parallel_loop3A_272] {strides = array<i32>} : memref<4x4x1024xf32, #tpu.memory_space<vmem>>, vector<1x1x16xf32>,
        %parallel_loop3A_274 = vector.shape_cast %parallel_loop3A_273 : vector<1x1x16xf32> to vector<16xf32>
        %parallel_loop3A_275 = vector.shape_cast %parallel_loop3A_267 : vector<16xf32> to vector<1x1x16xf32>
        tpu.vector_store %arg9[%parallel_loop3A_270, %parallel_loop3A_271, %parallel_loop3A_272], %parallel_loop3A_275 {strides = array<i32>} : memref<4x4x1024xf32, #tpu.memory_space<vmem>>, vector<1x1x16xf32>,
        %parallel_loop3A_276 = arith.constant 2 : i32
        %parallel_loop3A_277 = arith.constant 1 : i32
        %parallel_loop3A_278 = arith.index_cast %parallel_loop3A_276 : i32 to index
        %parallel_loop3A_279 = arith.index_cast %parallel_loop3A_277 : i32 to index
        %parallel_loop3A_280 = arith.index_cast %parallel_loop3A_116 : i32 to index
        %parallel_loop3A_281 = tpu.vector_load %arg5[%parallel_loop3A_278, %parallel_loop3A_279, %parallel_loop3A_280] {strides = array<i32>} : memref<4x4x1024xf32, #tpu.memory_space<vmem>>, vector<1x1x16xf32>,
        %parallel_loop3A_282 = vector.shape_cast %parallel_loop3A_281 : vector<1x1x16xf32> to vector<16xf32>
        %parallel_loop3A_283 = arith.addf %parallel_loop3A_282, %parallel_loop3A_259 : vector<16xf32>
        %parallel_loop3A_284 = arith.constant 2 : i32
        %parallel_loop3A_285 = arith.constant 1 : i32
        %parallel_loop3A_286 = arith.index_cast %parallel_loop3A_284 : i32 to index
        %parallel_loop3A_287 = arith.index_cast %parallel_loop3A_285 : i32 to index
        %parallel_loop3A_288 = arith.index_cast %parallel_loop3A_116 : i32 to index
        %parallel_loop3A_289 = tpu.vector_load %arg9[%parallel_loop3A_286, %parallel_loop3A_287, %parallel_loop3A_288] {strides = array<i32>} : memref<4x4x1024xf32, #tpu.memory_space<vmem>>, vector<1x1x16xf32>,
        %parallel_loop3A_290 = vector.shape_cast %parallel_loop3A_289 : vector<1x1x16xf32> to vector<16xf32>
        %parallel_loop3A_291 = vector.shape_cast %parallel_loop3A_283 : vector<16xf32> to vector<1x1x16xf32>
        tpu.vector_store %arg9[%parallel_loop3A_286, %parallel_loop3A_287, %parallel_loop3A_288], %parallel_loop3A_291 {strides = array<i32>} : memref<4x4x1024xf32, #tpu.memory_space<vmem>>, vector<1x1x16xf32>,
        %parallel_loop3A_292 = arith.constant 2 : i32
        %parallel_loop3A_293 = arith.constant 2 : i32
        %parallel_loop3A_294 = arith.index_cast %parallel_loop3A_292 : i32 to index
        %parallel_loop3A_295 = arith.index_cast %parallel_loop3A_293 : i32 to index
        %parallel_loop3A_296 = arith.index_cast %parallel_loop3A_116 : i32 to index
        %parallel_loop3A_297 = tpu.vector_load %arg5[%parallel_loop3A_294, %parallel_loop3A_295, %parallel_loop3A_296] {strides = array<i32>} : memref<4x4x1024xf32, #tpu.memory_space<vmem>>, vector<1x1x16xf32>,
        %parallel_loop3A_298 = vector.shape_cast %parallel_loop3A_297 : vector<1x1x16xf32> to vector<16xf32>
        %parallel_loop3A_299 = arith.addf %parallel_loop3A_298, %parallel_loop3A_259 : vector<16xf32>
        %parallel_loop3A_300 = arith.constant 2 : i32
        %parallel_loop3A_301 = arith.constant 2 : i32
        %parallel_loop3A_302 = arith.index_cast %parallel_loop3A_300 : i32 to index
        %parallel_loop3A_303 = arith.index_cast %parallel_loop3A_301 : i32 to index
        %parallel_loop3A_304 = arith.index_cast %parallel_loop3A_116 : i32 to index
        %parallel_loop3A_305 = tpu.vector_load %arg9[%parallel_loop3A_302, %parallel_loop3A_303, %parallel_loop3A_304] {strides = array<i32>} : memref<4x4x1024xf32, #tpu.memory_space<vmem>>, vector<1x1x16xf32>,
        %parallel_loop3A_306 = vector.shape_cast %parallel_loop3A_305 : vector<1x1x16xf32> to vector<16xf32>
        %parallel_loop3A_307 = vector.shape_cast %parallel_loop3A_299 : vector<16xf32> to vector<1x1x16xf32>
        tpu.vector_store %arg9[%parallel_loop3A_302, %parallel_loop3A_303, %parallel_loop3A_304], %parallel_loop3A_307 {strides = array<i32>} : memref<4x4x1024xf32, #tpu.memory_space<vmem>>, vector<1x1x16xf32>,
        %parallel_loop3A_308 = arith.constant 2 : i32
        %parallel_loop3A_309 = arith.constant 3 : i32
        %parallel_loop3A_310 = arith.index_cast %parallel_loop3A_308 : i32 to index
        %parallel_loop3A_311 = arith.index_cast %parallel_loop3A_309 : i32 to index
        %parallel_loop3A_312 = arith.index_cast %parallel_loop3A_116 : i32 to index
        %parallel_loop3A_313 = tpu.vector_load %arg5[%parallel_loop3A_310, %parallel_loop3A_311, %parallel_loop3A_312] {strides = array<i32>} : memref<4x4x1024xf32, #tpu.memory_space<vmem>>, vector<1x1x16xf32>,
        %parallel_loop3A_314 = vector.shape_cast %parallel_loop3A_313 : vector<1x1x16xf32> to vector<16xf32>
        %parallel_loop3A_315 = arith.addf %parallel_loop3A_314, %parallel_loop3A_259 : vector<16xf32>
        %parallel_loop3A_316 = arith.constant 2 : i32
        %parallel_loop3A_317 = arith.constant 3 : i32
        %parallel_loop3A_318 = arith.index_cast %parallel_loop3A_316 : i32 to index
        %parallel_loop3A_319 = arith.index_cast %parallel_loop3A_317 : i32 to index
        %parallel_loop3A_320 = arith.index_cast %parallel_loop3A_116 : i32 to index
        %parallel_loop3A_321 = tpu.vector_load %arg9[%parallel_loop3A_318, %parallel_loop3A_319, %parallel_loop3A_320] {strides = array<i32>} : memref<4x4x1024xf32, #tpu.memory_space<vmem>>, vector<1x1x16xf32>,
        %parallel_loop3A_322 = vector.shape_cast %parallel_loop3A_321 : vector<1x1x16xf32> to vector<16xf32>
        %parallel_loop3A_323 = vector.shape_cast %parallel_loop3A_315 : vector<16xf32> to vector<1x1x16xf32>
        tpu.vector_store %arg9[%parallel_loop3A_318, %parallel_loop3A_319, %parallel_loop3A_320], %parallel_loop3A_323 {strides = array<i32>} : memref<4x4x1024xf32, #tpu.memory_space<vmem>>, vector<1x1x16xf32>,
        %parallel_loop3A_324 = arith.constant 3 : i32
        %parallel_loop3A_325 = arith.index_cast %parallel_loop3A_324 : i32 to index
        %parallel_loop3A_326 = arith.index_cast %parallel_loop3A_116 : i32 to index
        %parallel_loop3A_327 = tpu.vector_load %arg7[%parallel_loop3A_325, %parallel_loop3A_326] {strides = array<i32>} : memref<4x1024xf32, #tpu.memory_space<vmem>>, vector<1x16xf32>,
        %parallel_loop3A_328 = vector.shape_cast %parallel_loop3A_327 : vector<1x16xf32> to vector<16xf32>
        %parallel_loop3A_329 = arith.constant 3 : i32
        %parallel_loop3A_330 = arith.constant 0 : i32
        %parallel_loop3A_331 = arith.index_cast %parallel_loop3A_329 : i32 to index
        %parallel_loop3A_332 = arith.index_cast %parallel_loop3A_330 : i32 to index
        %parallel_loop3A_333 = arith.index_cast %parallel_loop3A_116 : i32 to index
        %parallel_loop3A_334 = tpu.vector_load %arg5[%parallel_loop3A_331, %parallel_loop3A_332, %parallel_loop3A_333] {strides = array<i32>} : memref<4x4x1024xf32, #tpu.memory_space<vmem>>, vector<1x1x16xf32>,
        %parallel_loop3A_335 = vector.shape_cast %parallel_loop3A_334 : vector<1x1x16xf32> to vector<16xf32>
        %parallel_loop3A_336 = arith.addf %parallel_loop3A_335, %parallel_loop3A_328 : vector<16xf32>
        %parallel_loop3A_337 = arith.constant 3 : i32
        %parallel_loop3A_338 = arith.constant 0 : i32
        %parallel_loop3A_339 = arith.index_cast %parallel_loop3A_337 : i32 to index
        %parallel_loop3A_340 = arith.index_cast %parallel_loop3A_338 : i32 to index
        %parallel_loop3A_341 = arith.index_cast %parallel_loop3A_116 : i32 to index
        %parallel_loop3A_342 = tpu.vector_load %arg9[%parallel_loop3A_339, %parallel_loop3A_340, %parallel_loop3A_341] {strides = array<i32>} : memref<4x4x1024xf32, #tpu.memory_space<vmem>>, vector<1x1x16xf32>,
        %parallel_loop3A_343 = vector.shape_cast %parallel_loop3A_342 : vector<1x1x16xf32> to vector<16xf32>
        %parallel_loop3A_344 = vector.shape_cast %parallel_loop3A_336 : vector<16xf32> to vector<1x1x16xf32>
        tpu.vector_store %arg9[%parallel_loop3A_339, %parallel_loop3A_340, %parallel_loop3A_341], %parallel_loop3A_344 {strides = array<i32>} : memref<4x4x1024xf32, #tpu.memory_space<vmem>>, vector<1x1x16xf32>,
        %parallel_loop3A_345 = arith.constant 3 : i32
        %parallel_loop3A_346 = arith.constant 1 : i32
        %parallel_loop3A_347 = arith.index_cast %parallel_loop3A_345 : i32 to index
        %parallel_loop3A_348 = arith.index_cast %parallel_loop3A_346 : i32 to index
        %parallel_loop3A_349 = arith.index_cast %parallel_loop3A_116 : i32 to index
        %parallel_loop3A_350 = tpu.vector_load %arg5[%parallel_loop3A_347, %parallel_loop3A_348, %parallel_loop3A_349] {strides = array<i32>} : memref<4x4x1024xf32, #tpu.memory_space<vmem>>, vector<1x1x16xf32>,
        %parallel_loop3A_351 = vector.shape_cast %parallel_loop3A_350 : vector<1x1x16xf32> to vector<16xf32>
        %parallel_loop3A_352 = arith.addf %parallel_loop3A_351, %parallel_loop3A_328 : vector<16xf32>
        %parallel_loop3A_353 = arith.constant 3 : i32
        %parallel_loop3A_354 = arith.constant 1 : i32
        %parallel_loop3A_355 = arith.index_cast %parallel_loop3A_353 : i32 to index
        %parallel_loop3A_356 = arith.index_cast %parallel_loop3A_354 : i32 to index
        %parallel_loop3A_357 = arith.index_cast %parallel_loop3A_116 : i32 to index
        %parallel_loop3A_358 = tpu.vector_load %arg9[%parallel_loop3A_355, %parallel_loop3A_356, %parallel_loop3A_357] {strides = array<i32>} : memref<4x4x1024xf32, #tpu.memory_space<vmem>>, vector<1x1x16xf32>,
        %parallel_loop3A_359 = vector.shape_cast %parallel_loop3A_358 : vector<1x1x16xf32> to vector<16xf32>
        %parallel_loop3A_360 = vector.shape_cast %parallel_loop3A_352 : vector<16xf32> to vector<1x1x16xf32>
        tpu.vector_store %arg9[%parallel_loop3A_355, %parallel_loop3A_356, %parallel_loop3A_357], %parallel_loop3A_360 {strides = array<i32>} : memref<4x4x1024xf32, #tpu.memory_space<vmem>>, vector<1x1x16xf32>,
        %parallel_loop3A_361 = arith.constant 3 : i32
        %parallel_loop3A_362 = arith.constant 2 : i32
        %parallel_loop3A_363 = arith.index_cast %parallel_loop3A_361 : i32 to index
        %parallel_loop3A_364 = arith.index_cast %parallel_loop3A_362 : i32 to index
        %parallel_loop3A_365 = arith.index_cast %parallel_loop3A_116 : i32 to index
        %parallel_loop3A_366 = tpu.vector_load %arg5[%parallel_loop3A_363, %parallel_loop3A_364, %parallel_loop3A_365] {strides = array<i32>} : memref<4x4x1024xf32, #tpu.memory_space<vmem>>, vector<1x1x16xf32>,
        %parallel_loop3A_367 = vector.shape_cast %parallel_loop3A_366 : vector<1x1x16xf32> to vector<16xf32>
        %parallel_loop3A_368 = arith.addf %parallel_loop3A_367, %parallel_loop3A_328 : vector<16xf32>
        %parallel_loop3A_369 = arith.constant 3 : i32
        %parallel_loop3A_370 = arith.constant 2 : i32
        %parallel_loop3A_371 = arith.index_cast %parallel_loop3A_369 : i32 to index
        %parallel_loop3A_372 = arith.index_cast %parallel_loop3A_370 : i32 to index
        %parallel_loop3A_373 = arith.index_cast %parallel_loop3A_116 : i32 to index
        %parallel_loop3A_374 = tpu.vector_load %arg9[%parallel_loop3A_371, %parallel_loop3A_372, %parallel_loop3A_373] {strides = array<i32>} : memref<4x4x1024xf32, #tpu.memory_space<vmem>>, vector<1x1x16xf32>,
        %parallel_loop3A_375 = vector.shape_cast %parallel_loop3A_374 : vector<1x1x16xf32> to vector<16xf32>
        %parallel_loop3A_376 = vector.shape_cast %parallel_loop3A_368 : vector<16xf32> to vector<1x1x16xf32>
        tpu.vector_store %arg9[%parallel_loop3A_371, %parallel_loop3A_372, %parallel_loop3A_373], %parallel_loop3A_376 {strides = array<i32>} : memref<4x4x1024xf32, #tpu.memory_space<vmem>>, vector<1x1x16xf32>,
        %parallel_loop3A_377 = arith.constant 3 : i32
        %parallel_loop3A_378 = arith.constant 3 : i32
        %parallel_loop3A_379 = arith.index_cast %parallel_loop3A_377 : i32 to index
        %parallel_loop3A_380 = arith.index_cast %parallel_loop3A_378 : i32 to index
        %parallel_loop3A_381 = arith.index_cast %parallel_loop3A_116 : i32 to index
        %parallel_loop3A_382 = tpu.vector_load %arg5[%parallel_loop3A_379, %parallel_loop3A_380, %parallel_loop3A_381] {strides = array<i32>} : memref<4x4x1024xf32, #tpu.memory_space<vmem>>, vector<1x1x16xf32>,
        %parallel_loop3A_383 = vector.shape_cast %parallel_loop3A_382 : vector<1x1x16xf32> to vector<16xf32>
        %parallel_loop3A_384 = arith.addf %parallel_loop3A_383, %parallel_loop3A_328 : vector<16xf32>
        %parallel_loop3A_385 = arith.constant 3 : i32
        %parallel_loop3A_386 = arith.constant 3 : i32
        %parallel_loop3A_387 = arith.index_cast %parallel_loop3A_385 : i32 to index
        %parallel_loop3A_388 = arith.index_cast %parallel_loop3A_386 : i32 to index
        %parallel_loop3A_389 = arith.index_cast %parallel_loop3A_116 : i32 to index
        %parallel_loop3A_390 = tpu.vector_load %arg9[%parallel_loop3A_387, %parallel_loop3A_388, %parallel_loop3A_389] {strides = array<i32>} : memref<4x4x1024xf32, #tpu.memory_space<vmem>>, vector<1x1x16xf32>,
        %parallel_loop3A_391 = vector.shape_cast %parallel_loop3A_390 : vector<1x1x16xf32> to vector<16xf32>
        %parallel_loop3A_392 = vector.shape_cast %parallel_loop3A_384 : vector<16xf32> to vector<1x1x16xf32>
        tpu.vector_store %arg9[%parallel_loop3A_387, %parallel_loop3A_388, %parallel_loop3A_389], %parallel_loop3A_392 {strides = array<i32>} : memref<4x4x1024xf32, #tpu.memory_space<vmem>>, vector<1x1x16xf32>,
      } {sc.loop_unroll_factor = 1 : i64, sc.parallel_access}
      %dma_start3A_68 = arith.constant 0 : i32
      %dma_start3A_69 = arith.constant 0 : i32
      %dma_start3A_70 = tpu.memref_slice %arg4[%add3A_53, %dma_start3A_68, %dma_start3A_69] : memref<2048x4x1024xf32, #tpu.memory_space<hbm>> -> memref<4x4x1024xf32, #tpu.memory_space<hbm>>
      %dma_start3A_71 = arith.constant 0 : i32
      %dma_start3A_72 = arith.constant 0 : i32
      %dma_start3A_73 = tpu.memref_slice %arg4[%add3A_53, %dma_start3A_71, %dma_start3A_72] : memref<2048x4x1024xf32, #tpu.memory_space<hbm>> -> memref<4x4x1024xf32, #tpu.memory_space<hbm>>
      tpu.enqueue_dma source(%arg9 : memref<4x4x1024xf32, #tpu.memory_space<vmem>>) target(%dma_start3A_73 : memref<4x4x1024xf32, #tpu.memory_space<hbm>>) target_semaphore(%arg15 : memref<!tpu.dma_semaphore, #tpu.memory_space<semaphore_mem>>)
      %lt3A = arith.constant 7 : i32
      %lt3A_74 = arith.cmpi slt, %scan3A_46, %lt3A : i32
      %convert_element_type3A_75 = arith.extui %lt3A_74 : i1 to i32
      %cond3A_76 = arith.constant 0 : i32
      %cond3A_77 = arith.cmpi ne, %convert_element_type3A_75, %cond3A_76 : i32
      scf.if %cond3A_77 {
        %add3A_114 = arith.constant 2 : i32
        %add3A_115 = arith.addi %add3A_50, %add3A_114 : i32
        %mul3A_116 = arith.constant 4 : i32
        %mul3A_117 = arith.muli %add3A_115, %mul3A_116 : i32
        %add3A_118 = arith.addi %mul3A_2, %mul3A_117 : i32
        %dma_start3A_119 = arith.constant 0 : i32
        %dma_start3A_120 = arith.constant 0 : i32
        %dma_start3A_121 = tpu.memref_slice %arg2[%add3A_118, %dma_start3A_119, %dma_start3A_120] : memref<2048x4x1024xf32, #tpu.memory_space<hbm>> -> memref<4x4x1024xf32, #tpu.memory_space<hbm>>
        %dma_start3A_122 = arith.constant 0 : i32
        %dma_start3A_123 = arith.constant 0 : i32
        %dma_start3A_124 = tpu.memref_slice %arg2[%add3A_118, %dma_start3A_122, %dma_start3A_123] : memref<2048x4x1024xf32, #tpu.memory_space<hbm>> -> memref<4x4x1024xf32, #tpu.memory_space<hbm>>
        tpu.enqueue_dma source(%dma_start3A_124 : memref<4x4x1024xf32, #tpu.memory_space<hbm>>) target(%arg5 : memref<4x4x1024xf32, #tpu.memory_space<vmem>>) target_semaphore(%arg11 : memref<!tpu.dma_semaphore, #tpu.memory_space<semaphore_mem>>)
        %dma_start3A_125 = arith.constant 0 : i32
        %dma_start3A_126 = tpu.memref_slice %arg3[%add3A_118, %dma_start3A_125] : memref<2048x1024xf32, #tpu.memory_space<hbm>> -> memref<4x1024xf32, #tpu.memory_space<hbm>>
        %dma_start3A_127 = arith.constant 0 : i32
        %dma_start3A_128 = tpu.memref_slice %arg3[%add3A_118, %dma_start3A_127] : memref<2048x1024xf32, #tpu.memory_space<hbm>> -> memref<4x1024xf32, #tpu.memory_space<hbm>>
        tpu.enqueue_dma source(%dma_start3A_128 : memref<4x1024xf32, #tpu.memory_space<hbm>>) target(%arg7 : memref<4x1024xf32, #tpu.memory_space<vmem>>) target_semaphore(%arg13 : memref<!tpu.dma_semaphore, #tpu.memory_space<semaphore_mem>>)
      } else {
      }
      %mul3A_78 = arith.constant 2 : i32
      %mul3A_79 = arith.muli %scan3A_46, %mul3A_78 : i32
      %add3A_80 = arith.constant 1 : i32
      %add3A_81 = arith.addi %mul3A_79, %add3A_80 : i32
      %mul3A_82 = arith.constant 4 : i32
      %mul3A_83 = arith.muli %add3A_81, %mul3A_82 : i32
      %add3A_84 = arith.addi %mul3A_2, %mul3A_83 : i32
      %dma_wait3A_85 = arith.constant 0 : i32
      %dma_wait3A_86 = arith.constant 0 : i32
      %dma_wait3A_87 = tpu.memref_slice %arg2[%add3A_84, %dma_wait3A_85, %dma_wait3A_86] : memref<2048x4x1024xf32, #tpu.memory_space<hbm>> -> memref<4x4x1024xf32, #tpu.memory_space<hbm>>
      %dma_wait3A_88 = arith.constant 0 : i32
      %dma_wait3A_89 = arith.constant 0 : i32
      %dma_wait3A_90 = tpu.memref_slice %arg2[%add3A_84, %dma_wait3A_88, %dma_wait3A_89] : memref<2048x4x1024xf32, #tpu.memory_space<hbm>> -> memref<4x4x1024xf32, #tpu.memory_space<hbm>>
      tpu.wait_dma2 semaphore(%arg12 : memref<!tpu.dma_semaphore, #tpu.memory_space<semaphore_mem>>) src(%dma_wait3A_90 : memref<4x4x1024xf32, #tpu.memory_space<hbm>>) dst(%arg6 : memref<4x4x1024xf32, #tpu.memory_space<vmem>>)
      %dma_wait3A_91 = arith.constant 0 : i32
      %dma_wait3A_92 = tpu.memref_slice %arg3[%add3A_84, %dma_wait3A_91] : memref<2048x1024xf32, #tpu.memory_space<hbm>> -> memref<4x1024xf32, #tpu.memory_space<hbm>>
      %dma_wait3A_93 = arith.constant 0 : i32
      %dma_wait3A_94 = tpu.memref_slice %arg3[%add3A_84, %dma_wait3A_93] : memref<2048x1024xf32, #tpu.memory_space<hbm>> -> memref<4x1024xf32, #tpu.memory_space<hbm>>
      tpu.wait_dma2 semaphore(%arg14 : memref<!tpu.dma_semaphore, #tpu.memory_space<semaphore_mem>>) src(%dma_wait3A_94 : memref<4x1024xf32, #tpu.memory_space<hbm>>) dst(%arg8 : memref<4x1024xf32, #tpu.memory_space<vmem>>)
      %ge3A_95 = arith.constant 1 : i32
      %ge3A_96 = arith.cmpi sge, %scan3A_46, %ge3A_95 : i32
      %convert_element_type3A_97 = arith.extui %ge3A_96 : i1 to i32
      %cond3A_98 = arith.constant 0 : i32
      %cond3A_99 = arith.cmpi ne, %convert_element_type3A_97, %cond3A_98 : i32
      scf.if %cond3A_99 {
        %dma_wait3A_114 = arith.constant 0 : i32
        %dma_wait3A_115 = arith.constant 0 : i32
        %dma_wait3A_116 = tpu.memref_slice %arg4[%add3A_84, %dma_wait3A_114, %dma_wait3A_115] : memref<2048x4x1024xf32, #tpu.memory_space<hbm>> -> memref<4x4x1024xf32, #tpu.memory_space<hbm>>
        %dma_wait3A_117 = arith.constant 0 : i32
        %dma_wait3A_118 = arith.constant 0 : i32
        %dma_wait3A_119 = tpu.memref_slice %arg4[%add3A_84, %dma_wait3A_117, %dma_wait3A_118] : memref<2048x4x1024xf32, #tpu.memory_space<hbm>> -> memref<4x4x1024xf32, #tpu.memory_space<hbm>>
        tpu.wait_dma2 semaphore(%arg16 : memref<!tpu.dma_semaphore, #tpu.memory_space<semaphore_mem>>) src(%arg10 : memref<4x4x1024xf32, #tpu.memory_space<vmem>>) dst(%dma_wait3A_119 : memref<4x4x1024xf32, #tpu.memory_space<hbm>>)
      } else {
      }
      %parallel_loop3A_100 = arith.constant 0 : i32
      %parallel_loop3A_101 = arith.constant 64 : i32
      %parallel_loop3A_102 = arith.constant 1 : i32
      scf.for %parallel_loop3A_114 = %parallel_loop3A_100 to %parallel_loop3A_101 step %parallel_loop3A_102  : i32 {
        %parallel_loop3A_115 = arith.constant 16 : i32
        %parallel_loop3A_116 = arith.muli %parallel_loop3A_114, %parallel_loop3A_115 : i32
        %parallel_loop3A_117 = arith.constant 0 : i32
        %parallel_loop3A_118 = arith.index_cast %parallel_loop3A_117 : i32 to index
        %parallel_loop3A_119 = arith.index_cast %parallel_loop3A_116 : i32 to index
        %parallel_loop3A_120 = tpu.vector_load %arg8[%parallel_loop3A_118, %parallel_loop3A_119] {strides = array<i32>} : memref<4x1024xf32, #tpu.memory_space<vmem>>, vector<1x16xf32>,
        %parallel_loop3A_121 = vector.shape_cast %parallel_loop3A_120 : vector<1x16xf32> to vector<16xf32>
        %parallel_loop3A_122 = arith.constant 0 : i32
        %parallel_loop3A_123 = arith.constant 0 : i32
        %parallel_loop3A_124 = arith.index_cast %parallel_loop3A_122 : i32 to index
        %parallel_loop3A_125 = arith.index_cast %parallel_loop3A_123 : i32 to index
        %parallel_loop3A_126 = arith.index_cast %parallel_loop3A_116 : i32 to index
        %parallel_loop3A_127 = tpu.vector_load %arg6[%parallel_loop3A_124, %parallel_loop3A_125, %parallel_loop3A_126] {strides = array<i32>} : memref<4x4x1024xf32, #tpu.memory_space<vmem>>, vector<1x1x16xf32>,
        %parallel_loop3A_128 = vector.shape_cast %parallel_loop3A_127 : vector<1x1x16xf32> to vector<16xf32>
        %parallel_loop3A_129 = arith.addf %parallel_loop3A_128, %parallel_loop3A_121 : vector<16xf32>
        %parallel_loop3A_130 = arith.constant 0 : i32
        %parallel_loop3A_131 = arith.constant 0 : i32
        %parallel_loop3A_132 = arith.index_cast %parallel_loop3A_130 : i32 to index
        %parallel_loop3A_133 = arith.index_cast %parallel_loop3A_131 : i32 to index
        %parallel_loop3A_134 = arith.index_cast %parallel_loop3A_116 : i32 to index
        %parallel_loop3A_135 = tpu.vector_load %arg10[%parallel_loop3A_132, %parallel_loop3A_133, %parallel_loop3A_134] {strides = array<i32>} : memref<4x4x1024xf32, #tpu.memory_space<vmem>>, vector<1x1x16xf32>,
        %parallel_loop3A_136 = vector.shape_cast %parallel_loop3A_135 : vector<1x1x16xf32> to vector<16xf32>
        %parallel_loop3A_137 = vector.shape_cast %parallel_loop3A_129 : vector<16xf32> to vector<1x1x16xf32>
        tpu.vector_store %arg10[%parallel_loop3A_132, %parallel_loop3A_133, %parallel_loop3A_134], %parallel_loop3A_137 {strides = array<i32>} : memref<4x4x1024xf32, #tpu.memory_space<vmem>>, vector<1x1x16xf32>,
        %parallel_loop3A_138 = arith.constant 0 : i32
        %parallel_loop3A_139 = arith.constant 1 : i32
        %parallel_loop3A_140 = arith.index_cast %parallel_loop3A_138 : i32 to index
        %parallel_loop3A_141 = arith.index_cast %parallel_loop3A_139 : i32 to index
        %parallel_loop3A_142 = arith.index_cast %parallel_loop3A_116 : i32 to index
        %parallel_loop3A_143 = tpu.vector_load %arg6[%parallel_loop3A_140, %parallel_loop3A_141, %parallel_loop3A_142] {strides = array<i32>} : memref<4x4x1024xf32, #tpu.memory_space<vmem>>, vector<1x1x16xf32>,
        %parallel_loop3A_144 = vector.shape_cast %parallel_loop3A_143 : vector<1x1x16xf32> to vector<16xf32>
        %parallel_loop3A_145 = arith.addf %parallel_loop3A_144, %parallel_loop3A_121 : vector<16xf32>
        %parallel_loop3A_146 = arith.constant 0 : i32
        %parallel_loop3A_147 = arith.constant 1 : i32
        %parallel_loop3A_148 = arith.index_cast %parallel_loop3A_146 : i32 to index
        %parallel_loop3A_149 = arith.index_cast %parallel_loop3A_147 : i32 to index
        %parallel_loop3A_150 = arith.index_cast %parallel_loop3A_116 : i32 to index
        %parallel_loop3A_151 = tpu.vector_load %arg10[%parallel_loop3A_148, %parallel_loop3A_149, %parallel_loop3A_150] {strides = array<i32>} : memref<4x4x1024xf32, #tpu.memory_space<vmem>>, vector<1x1x16xf32>,
        %parallel_loop3A_152 = vector.shape_cast %parallel_loop3A_151 : vector<1x1x16xf32> to vector<16xf32>
        %parallel_loop3A_153 = vector.shape_cast %parallel_loop3A_145 : vector<16xf32> to vector<1x1x16xf32>
        tpu.vector_store %arg10[%parallel_loop3A_148, %parallel_loop3A_149, %parallel_loop3A_150], %parallel_loop3A_153 {strides = array<i32>} : memref<4x4x1024xf32, #tpu.memory_space<vmem>>, vector<1x1x16xf32>,
        %parallel_loop3A_154 = arith.constant 0 : i32
        %parallel_loop3A_155 = arith.constant 2 : i32
        %parallel_loop3A_156 = arith.index_cast %parallel_loop3A_154 : i32 to index
        %parallel_loop3A_157 = arith.index_cast %parallel_loop3A_155 : i32 to index
        %parallel_loop3A_158 = arith.index_cast %parallel_loop3A_116 : i32 to index
        %parallel_loop3A_159 = tpu.vector_load %arg6[%parallel_loop3A_156, %parallel_loop3A_157, %parallel_loop3A_158] {strides = array<i32>} : memref<4x4x1024xf32, #tpu.memory_space<vmem>>, vector<1x1x16xf32>,
        %parallel_loop3A_160 = vector.shape_cast %parallel_loop3A_159 : vector<1x1x16xf32> to vector<16xf32>
        %parallel_loop3A_161 = arith.addf %parallel_loop3A_160, %parallel_loop3A_121 : vector<16xf32>
        %parallel_loop3A_162 = arith.constant 0 : i32
        %parallel_loop3A_163 = arith.constant 2 : i32
        %parallel_loop3A_164 = arith.index_cast %parallel_loop3A_162 : i32 to index
        %parallel_loop3A_165 = arith.index_cast %parallel_loop3A_163 : i32 to index
        %parallel_loop3A_166 = arith.index_cast %parallel_loop3A_116 : i32 to index
        %parallel_loop3A_167 = tpu.vector_load %arg10[%parallel_loop3A_164, %parallel_loop3A_165, %parallel_loop3A_166] {strides = array<i32>} : memref<4x4x1024xf32, #tpu.memory_space<vmem>>, vector<1x1x16xf32>,
        %parallel_loop3A_168 = vector.shape_cast %parallel_loop3A_167 : vector<1x1x16xf32> to vector<16xf32>
        %parallel_loop3A_169 = vector.shape_cast %parallel_loop3A_161 : vector<16xf32> to vector<1x1x16xf32>
        tpu.vector_store %arg10[%parallel_loop3A_164, %parallel_loop3A_165, %parallel_loop3A_166], %parallel_loop3A_169 {strides = array<i32>} : memref<4x4x1024xf32, #tpu.memory_space<vmem>>, vector<1x1x16xf32>,
        %parallel_loop3A_170 = arith.constant 0 : i32
        %parallel_loop3A_171 = arith.constant 3 : i32
        %parallel_loop3A_172 = arith.index_cast %parallel_loop3A_170 : i32 to index
        %parallel_loop3A_173 = arith.index_cast %parallel_loop3A_171 : i32 to index
        %parallel_loop3A_174 = arith.index_cast %parallel_loop3A_116 : i32 to index
        %parallel_loop3A_175 = tpu.vector_load %arg6[%parallel_loop3A_172, %parallel_loop3A_173, %parallel_loop3A_174] {strides = array<i32>} : memref<4x4x1024xf32, #tpu.memory_space<vmem>>, vector<1x1x16xf32>,
        %parallel_loop3A_176 = vector.shape_cast %parallel_loop3A_175 : vector<1x1x16xf32> to vector<16xf32>
        %parallel_loop3A_177 = arith.addf %parallel_loop3A_176, %parallel_loop3A_121 : vector<16xf32>
        %parallel_loop3A_178 = arith.constant 0 : i32
        %parallel_loop3A_179 = arith.constant 3 : i32
        %parallel_loop3A_180 = arith.index_cast %parallel_loop3A_178 : i32 to index
        %parallel_loop3A_181 = arith.index_cast %parallel_loop3A_179 : i32 to index
        %parallel_loop3A_182 = arith.index_cast %parallel_loop3A_116 : i32 to index
        %parallel_loop3A_183 = tpu.vector_load %arg10[%parallel_loop3A_180, %parallel_loop3A_181, %parallel_loop3A_182] {strides = array<i32>} : memref<4x4x1024xf32, #tpu.memory_space<vmem>>, vector<1x1x16xf32>,
        %parallel_loop3A_184 = vector.shape_cast %parallel_loop3A_183 : vector<1x1x16xf32> to vector<16xf32>
        %parallel_loop3A_185 = vector.shape_cast %parallel_loop3A_177 : vector<16xf32> to vector<1x1x16xf32>
        tpu.vector_store %arg10[%parallel_loop3A_180, %parallel_loop3A_181, %parallel_loop3A_182], %parallel_loop3A_185 {strides = array<i32>} : memref<4x4x1024xf32, #tpu.memory_space<vmem>>, vector<1x1x16xf32>,
        %parallel_loop3A_186 = arith.constant 1 : i32
        %parallel_loop3A_187 = arith.index_cast %parallel_loop3A_186 : i32 to index
        %parallel_loop3A_188 = arith.index_cast %parallel_loop3A_116 : i32 to index
        %parallel_loop3A_189 = tpu.vector_load %arg8[%parallel_loop3A_187, %parallel_loop3A_188] {strides = array<i32>} : memref<4x1024xf32, #tpu.memory_space<vmem>>, vector<1x16xf32>,
        %parallel_loop3A_190 = vector.shape_cast %parallel_loop3A_189 : vector<1x16xf32> to vector<16xf32>
        %parallel_loop3A_191 = arith.constant 1 : i32
        %parallel_loop3A_192 = arith.constant 0 : i32
        %parallel_loop3A_193 = arith.index_cast %parallel_loop3A_191 : i32 to index
        %parallel_loop3A_194 = arith.index_cast %parallel_loop3A_192 : i32 to index
        %parallel_loop3A_195 = arith.index_cast %parallel_loop3A_116 : i32 to index
        %parallel_loop3A_196 = tpu.vector_load %arg6[%parallel_loop3A_193, %parallel_loop3A_194, %parallel_loop3A_195] {strides = array<i32>} : memref<4x4x1024xf32, #tpu.memory_space<vmem>>, vector<1x1x16xf32>,
        %parallel_loop3A_197 = vector.shape_cast %parallel_loop3A_196 : vector<1x1x16xf32> to vector<16xf32>
        %parallel_loop3A_198 = arith.addf %parallel_loop3A_197, %parallel_loop3A_190 : vector<16xf32>
        %parallel_loop3A_199 = arith.constant 1 : i32
        %parallel_loop3A_200 = arith.constant 0 : i32
        %parallel_loop3A_201 = arith.index_cast %parallel_loop3A_199 : i32 to index
        %parallel_loop3A_202 = arith.index_cast %parallel_loop3A_200 : i32 to index
        %parallel_loop3A_203 = arith.index_cast %parallel_loop3A_116 : i32 to index
        %parallel_loop3A_204 = tpu.vector_load %arg10[%parallel_loop3A_201, %parallel_loop3A_202, %parallel_loop3A_203] {strides = array<i32>} : memref<4x4x1024xf32, #tpu.memory_space<vmem>>, vector<1x1x16xf32>,
        %parallel_loop3A_205 = vector.shape_cast %parallel_loop3A_204 : vector<1x1x16xf32> to vector<16xf32>
        %parallel_loop3A_206 = vector.shape_cast %parallel_loop3A_198 : vector<16xf32> to vector<1x1x16xf32>
        tpu.vector_store %arg10[%parallel_loop3A_201, %parallel_loop3A_202, %parallel_loop3A_203], %parallel_loop3A_206 {strides = array<i32>} : memref<4x4x1024xf32, #tpu.memory_space<vmem>>, vector<1x1x16xf32>,
        %parallel_loop3A_207 = arith.constant 1 : i32
        %parallel_loop3A_208 = arith.constant 1 : i32
        %parallel_loop3A_209 = arith.index_cast %parallel_loop3A_207 : i32 to index
        %parallel_loop3A_210 = arith.index_cast %parallel_loop3A_208 : i32 to index
        %parallel_loop3A_211 = arith.index_cast %parallel_loop3A_116 : i32 to index
        %parallel_loop3A_212 = tpu.vector_load %arg6[%parallel_loop3A_209, %parallel_loop3A_210, %parallel_loop3A_211] {strides = array<i32>} : memref<4x4x1024xf32, #tpu.memory_space<vmem>>, vector<1x1x16xf32>,
        %parallel_loop3A_213 = vector.shape_cast %parallel_loop3A_212 : vector<1x1x16xf32> to vector<16xf32>
        %parallel_loop3A_214 = arith.addf %parallel_loop3A_213, %parallel_loop3A_190 : vector<16xf32>
        %parallel_loop3A_215 = arith.constant 1 : i32
        %parallel_loop3A_216 = arith.constant 1 : i32
        %parallel_loop3A_217 = arith.index_cast %parallel_loop3A_215 : i32 to index
        %parallel_loop3A_218 = arith.index_cast %parallel_loop3A_216 : i32 to index
        %parallel_loop3A_219 = arith.index_cast %parallel_loop3A_116 : i32 to index
        %parallel_loop3A_220 = tpu.vector_load %arg10[%parallel_loop3A_217, %parallel_loop3A_218, %parallel_loop3A_219] {strides = array<i32>} : memref<4x4x1024xf32, #tpu.memory_space<vmem>>, vector<1x1x16xf32>,
        %parallel_loop3A_221 = vector.shape_cast %parallel_loop3A_220 : vector<1x1x16xf32> to vector<16xf32>
        %parallel_loop3A_222 = vector.shape_cast %parallel_loop3A_214 : vector<16xf32> to vector<1x1x16xf32>
        tpu.vector_store %arg10[%parallel_loop3A_217, %parallel_loop3A_218, %parallel_loop3A_219], %parallel_loop3A_222 {strides = array<i32>} : memref<4x4x1024xf32, #tpu.memory_space<vmem>>, vector<1x1x16xf32>,
        %parallel_loop3A_223 = arith.constant 1 : i32
        %parallel_loop3A_224 = arith.constant 2 : i32
        %parallel_loop3A_225 = arith.index_cast %parallel_loop3A_223 : i32 to index
        %parallel_loop3A_226 = arith.index_cast %parallel_loop3A_224 : i32 to index
        %parallel_loop3A_227 = arith.index_cast %parallel_loop3A_116 : i32 to index
        %parallel_loop3A_228 = tpu.vector_load %arg6[%parallel_loop3A_225, %parallel_loop3A_226, %parallel_loop3A_227] {strides = array<i32>} : memref<4x4x1024xf32, #tpu.memory_space<vmem>>, vector<1x1x16xf32>,
        %parallel_loop3A_229 = vector.shape_cast %parallel_loop3A_228 : vector<1x1x16xf32> to vector<16xf32>
        %parallel_loop3A_230 = arith.addf %parallel_loop3A_229, %parallel_loop3A_190 : vector<16xf32>
        %parallel_loop3A_231 = arith.constant 1 : i32
        %parallel_loop3A_232 = arith.constant 2 : i32
        %parallel_loop3A_233 = arith.index_cast %parallel_loop3A_231 : i32 to index
        %parallel_loop3A_234 = arith.index_cast %parallel_loop3A_232 : i32 to index
        %parallel_loop3A_235 = arith.index_cast %parallel_loop3A_116 : i32 to index
        %parallel_loop3A_236 = tpu.vector_load %arg10[%parallel_loop3A_233, %parallel_loop3A_234, %parallel_loop3A_235] {strides = array<i32>} : memref<4x4x1024xf32, #tpu.memory_space<vmem>>, vector<1x1x16xf32>,
        %parallel_loop3A_237 = vector.shape_cast %parallel_loop3A_236 : vector<1x1x16xf32> to vector<16xf32>
        %parallel_loop3A_238 = vector.shape_cast %parallel_loop3A_230 : vector<16xf32> to vector<1x1x16xf32>
        tpu.vector_store %arg10[%parallel_loop3A_233, %parallel_loop3A_234, %parallel_loop3A_235], %parallel_loop3A_238 {strides = array<i32>} : memref<4x4x1024xf32, #tpu.memory_space<vmem>>, vector<1x1x16xf32>,
        %parallel_loop3A_239 = arith.constant 1 : i32
        %parallel_loop3A_240 = arith.constant 3 : i32
        %parallel_loop3A_241 = arith.index_cast %parallel_loop3A_239 : i32 to index
        %parallel_loop3A_242 = arith.index_cast %parallel_loop3A_240 : i32 to index
        %parallel_loop3A_243 = arith.index_cast %parallel_loop3A_116 : i32 to index
        %parallel_loop3A_244 = tpu.vector_load %arg6[%parallel_loop3A_241, %parallel_loop3A_242, %parallel_loop3A_243] {strides = array<i32>} : memref<4x4x1024xf32, #tpu.memory_space<vmem>>, vector<1x1x16xf32>,
        %parallel_loop3A_245 = vector.shape_cast %parallel_loop3A_244 : vector<1x1x16xf32> to vector<16xf32>
        %parallel_loop3A_246 = arith.addf %parallel_loop3A_245, %parallel_loop3A_190 : vector<16xf32>
        %parallel_loop3A_247 = arith.constant 1 : i32
        %parallel_loop3A_248 = arith.constant 3 : i32
        %parallel_loop3A_249 = arith.index_cast %parallel_loop3A_247 : i32 to index
        %parallel_loop3A_250 = arith.index_cast %parallel_loop3A_248 : i32 to index
        %parallel_loop3A_251 = arith.index_cast %parallel_loop3A_116 : i32 to index
        %parallel_loop3A_252 = tpu.vector_load %arg10[%parallel_loop3A_249, %parallel_loop3A_250, %parallel_loop3A_251] {strides = array<i32>} : memref<4x4x1024xf32, #tpu.memory_space<vmem>>, vector<1x1x16xf32>,
        %parallel_loop3A_253 = vector.shape_cast %parallel_loop3A_252 : vector<1x1x16xf32> to vector<16xf32>
        %parallel_loop3A_254 = vector.shape_cast %parallel_loop3A_246 : vector<16xf32> to vector<1x1x16xf32>
        tpu.vector_store %arg10[%parallel_loop3A_249, %parallel_loop3A_250, %parallel_loop3A_251], %parallel_loop3A_254 {strides = array<i32>} : memref<4x4x1024xf32, #tpu.memory_space<vmem>>, vector<1x1x16xf32>,
        %parallel_loop3A_255 = arith.constant 2 : i32
        %parallel_loop3A_256 = arith.index_cast %parallel_loop3A_255 : i32 to index
        %parallel_loop3A_257 = arith.index_cast %parallel_loop3A_116 : i32 to index
        %parallel_loop3A_258 = tpu.vector_load %arg8[%parallel_loop3A_256, %parallel_loop3A_257] {strides = array<i32>} : memref<4x1024xf32, #tpu.memory_space<vmem>>, vector<1x16xf32>,
        %parallel_loop3A_259 = vector.shape_cast %parallel_loop3A_258 : vector<1x16xf32> to vector<16xf32>
        %parallel_loop3A_260 = arith.constant 2 : i32
        %parallel_loop3A_261 = arith.constant 0 : i32
        %parallel_loop3A_262 = arith.index_cast %parallel_loop3A_260 : i32 to index
        %parallel_loop3A_263 = arith.index_cast %parallel_loop3A_261 : i32 to index
        %parallel_loop3A_264 = arith.index_cast %parallel_loop3A_116 : i32 to index
        %parallel_loop3A_265 = tpu.vector_load %arg6[%parallel_loop3A_262, %parallel_loop3A_263, %parallel_loop3A_264] {strides = array<i32>} : memref<4x4x1024xf32, #tpu.memory_space<vmem>>, vector<1x1x16xf32>,
        %parallel_loop3A_266 = vector.shape_cast %parallel_loop3A_265 : vector<1x1x16xf32> to vector<16xf32>
        %parallel_loop3A_267 = arith.addf %parallel_loop3A_266, %parallel_loop3A_259 : vector<16xf32>
        %parallel_loop3A_268 = arith.constant 2 : i32
        %parallel_loop3A_269 = arith.constant 0 : i32
        %parallel_loop3A_270 = arith.index_cast %parallel_loop3A_268 : i32 to index
        %parallel_loop3A_271 = arith.index_cast %parallel_loop3A_269 : i32 to index
        %parallel_loop3A_272 = arith.index_cast %parallel_loop3A_116 : i32 to index
        %parallel_loop3A_273 = tpu.vector_load %arg10[%parallel_loop3A_270, %parallel_loop3A_271, %parallel_loop3A_272] {strides = array<i32>} : memref<4x4x1024xf32, #tpu.memory_space<vmem>>, vector<1x1x16xf32>,
        %parallel_loop3A_274 = vector.shape_cast %parallel_loop3A_273 : vector<1x1x16xf32> to vector<16xf32>
        %parallel_loop3A_275 = vector.shape_cast %parallel_loop3A_267 : vector<16xf32> to vector<1x1x16xf32>
        tpu.vector_store %arg10[%parallel_loop3A_270, %parallel_loop3A_271, %parallel_loop3A_272], %parallel_loop3A_275 {strides = array<i32>} : memref<4x4x1024xf32, #tpu.memory_space<vmem>>, vector<1x1x16xf32>,
        %parallel_loop3A_276 = arith.constant 2 : i32
        %parallel_loop3A_277 = arith.constant 1 : i32
        %parallel_loop3A_278 = arith.index_cast %parallel_loop3A_276 : i32 to index
        %parallel_loop3A_279 = arith.index_cast %parallel_loop3A_277 : i32 to index
        %parallel_loop3A_280 = arith.index_cast %parallel_loop3A_116 : i32 to index
        %parallel_loop3A_281 = tpu.vector_load %arg6[%parallel_loop3A_278, %parallel_loop3A_279, %parallel_loop3A_280] {strides = array<i32>} : memref<4x4x1024xf32, #tpu.memory_space<vmem>>, vector<1x1x16xf32>,
        %parallel_loop3A_282 = vector.shape_cast %parallel_loop3A_281 : vector<1x1x16xf32> to vector<16xf32>
        %parallel_loop3A_283 = arith.addf %parallel_loop3A_282, %parallel_loop3A_259 : vector<16xf32>
        %parallel_loop3A_284 = arith.constant 2 : i32
        %parallel_loop3A_285 = arith.constant 1 : i32
        %parallel_loop3A_286 = arith.index_cast %parallel_loop3A_284 : i32 to index
        %parallel_loop3A_287 = arith.index_cast %parallel_loop3A_285 : i32 to index
        %parallel_loop3A_288 = arith.index_cast %parallel_loop3A_116 : i32 to index
        %parallel_loop3A_289 = tpu.vector_load %arg10[%parallel_loop3A_286, %parallel_loop3A_287, %parallel_loop3A_288] {strides = array<i32>} : memref<4x4x1024xf32, #tpu.memory_space<vmem>>, vector<1x1x16xf32>,
        %parallel_loop3A_290 = vector.shape_cast %parallel_loop3A_289 : vector<1x1x16xf32> to vector<16xf32>
        %parallel_loop3A_291 = vector.shape_cast %parallel_loop3A_283 : vector<16xf32> to vector<1x1x16xf32>
        tpu.vector_store %arg10[%parallel_loop3A_286, %parallel_loop3A_287, %parallel_loop3A_288], %parallel_loop3A_291 {strides = array<i32>} : memref<4x4x1024xf32, #tpu.memory_space<vmem>>, vector<1x1x16xf32>,
        %parallel_loop3A_292 = arith.constant 2 : i32
        %parallel_loop3A_293 = arith.constant 2 : i32
        %parallel_loop3A_294 = arith.index_cast %parallel_loop3A_292 : i32 to index
        %parallel_loop3A_295 = arith.index_cast %parallel_loop3A_293 : i32 to index
        %parallel_loop3A_296 = arith.index_cast %parallel_loop3A_116 : i32 to index
        %parallel_loop3A_297 = tpu.vector_load %arg6[%parallel_loop3A_294, %parallel_loop3A_295, %parallel_loop3A_296] {strides = array<i32>} : memref<4x4x1024xf32, #tpu.memory_space<vmem>>, vector<1x1x16xf32>,
        %parallel_loop3A_298 = vector.shape_cast %parallel_loop3A_297 : vector<1x1x16xf32> to vector<16xf32>
        %parallel_loop3A_299 = arith.addf %parallel_loop3A_298, %parallel_loop3A_259 : vector<16xf32>
        %parallel_loop3A_300 = arith.constant 2 : i32
        %parallel_loop3A_301 = arith.constant 2 : i32
        %parallel_loop3A_302 = arith.index_cast %parallel_loop3A_300 : i32 to index
        %parallel_loop3A_303 = arith.index_cast %parallel_loop3A_301 : i32 to index
        %parallel_loop3A_304 = arith.index_cast %parallel_loop3A_116 : i32 to index
        %parallel_loop3A_305 = tpu.vector_load %arg10[%parallel_loop3A_302, %parallel_loop3A_303, %parallel_loop3A_304] {strides = array<i32>} : memref<4x4x1024xf32, #tpu.memory_space<vmem>>, vector<1x1x16xf32>,
        %parallel_loop3A_306 = vector.shape_cast %parallel_loop3A_305 : vector<1x1x16xf32> to vector<16xf32>
        %parallel_loop3A_307 = vector.shape_cast %parallel_loop3A_299 : vector<16xf32> to vector<1x1x16xf32>
        tpu.vector_store %arg10[%parallel_loop3A_302, %parallel_loop3A_303, %parallel_loop3A_304], %parallel_loop3A_307 {strides = array<i32>} : memref<4x4x1024xf32, #tpu.memory_space<vmem>>, vector<1x1x16xf32>,
        %parallel_loop3A_308 = arith.constant 2 : i32
        %parallel_loop3A_309 = arith.constant 3 : i32
        %parallel_loop3A_310 = arith.index_cast %parallel_loop3A_308 : i32 to index
        %parallel_loop3A_311 = arith.index_cast %parallel_loop3A_309 : i32 to index
        %parallel_loop3A_312 = arith.index_cast %parallel_loop3A_116 : i32 to index
        %parallel_loop3A_313 = tpu.vector_load %arg6[%parallel_loop3A_310, %parallel_loop3A_311, %parallel_loop3A_312] {strides = array<i32>} : memref<4x4x1024xf32, #tpu.memory_space<vmem>>, vector<1x1x16xf32>,
        %parallel_loop3A_314 = vector.shape_cast %parallel_loop3A_313 : vector<1x1x16xf32> to vector<16xf32>
        %parallel_loop3A_315 = arith.addf %parallel_loop3A_314, %parallel_loop3A_259 : vector<16xf32>
        %parallel_loop3A_316 = arith.constant 2 : i32
        %parallel_loop3A_317 = arith.constant 3 : i32
        %parallel_loop3A_318 = arith.index_cast %parallel_loop3A_316 : i32 to index
        %parallel_loop3A_319 = arith.index_cast %parallel_loop3A_317 : i32 to index
        %parallel_loop3A_320 = arith.index_cast %parallel_loop3A_116 : i32 to index
        %parallel_loop3A_321 = tpu.vector_load %arg10[%parallel_loop3A_318, %parallel_loop3A_319, %parallel_loop3A_320] {strides = array<i32>} : memref<4x4x1024xf32, #tpu.memory_space<vmem>>, vector<1x1x16xf32>,
        %parallel_loop3A_322 = vector.shape_cast %parallel_loop3A_321 : vector<1x1x16xf32> to vector<16xf32>
        %parallel_loop3A_323 = vector.shape_cast %parallel_loop3A_315 : vector<16xf32> to vector<1x1x16xf32>
        tpu.vector_store %arg10[%parallel_loop3A_318, %parallel_loop3A_319, %parallel_loop3A_320], %parallel_loop3A_323 {strides = array<i32>} : memref<4x4x1024xf32, #tpu.memory_space<vmem>>, vector<1x1x16xf32>,
        %parallel_loop3A_324 = arith.constant 3 : i32
        %parallel_loop3A_325 = arith.index_cast %parallel_loop3A_324 : i32 to index
        %parallel_loop3A_326 = arith.index_cast %parallel_loop3A_116 : i32 to index
        %parallel_loop3A_327 = tpu.vector_load %arg8[%parallel_loop3A_325, %parallel_loop3A_326] {strides = array<i32>} : memref<4x1024xf32, #tpu.memory_space<vmem>>, vector<1x16xf32>,
        %parallel_loop3A_328 = vector.shape_cast %parallel_loop3A_327 : vector<1x16xf32> to vector<16xf32>
        %parallel_loop3A_329 = arith.constant 3 : i32
        %parallel_loop3A_330 = arith.constant 0 : i32
        %parallel_loop3A_331 = arith.index_cast %parallel_loop3A_329 : i32 to index
        %parallel_loop3A_332 = arith.index_cast %parallel_loop3A_330 : i32 to index
        %parallel_loop3A_333 = arith.index_cast %parallel_loop3A_116 : i32 to index
        %parallel_loop3A_334 = tpu.vector_load %arg6[%parallel_loop3A_331, %parallel_loop3A_332, %parallel_loop3A_333] {strides = array<i32>} : memref<4x4x1024xf32, #tpu.memory_space<vmem>>, vector<1x1x16xf32>,
        %parallel_loop3A_335 = vector.shape_cast %parallel_loop3A_334 : vector<1x1x16xf32> to vector<16xf32>
        %parallel_loop3A_336 = arith.addf %parallel_loop3A_335, %parallel_loop3A_328 : vector<16xf32>
        %parallel_loop3A_337 = arith.constant 3 : i32
        %parallel_loop3A_338 = arith.constant 0 : i32
        %parallel_loop3A_339 = arith.index_cast %parallel_loop3A_337 : i32 to index
        %parallel_loop3A_340 = arith.index_cast %parallel_loop3A_338 : i32 to index
        %parallel_loop3A_341 = arith.index_cast %parallel_loop3A_116 : i32 to index
        %parallel_loop3A_342 = tpu.vector_load %arg10[%parallel_loop3A_339, %parallel_loop3A_340, %parallel_loop3A_341] {strides = array<i32>} : memref<4x4x1024xf32, #tpu.memory_space<vmem>>, vector<1x1x16xf32>,
        %parallel_loop3A_343 = vector.shape_cast %parallel_loop3A_342 : vector<1x1x16xf32> to vector<16xf32>
        %parallel_loop3A_344 = vector.shape_cast %parallel_loop3A_336 : vector<16xf32> to vector<1x1x16xf32>
        tpu.vector_store %arg10[%parallel_loop3A_339, %parallel_loop3A_340, %parallel_loop3A_341], %parallel_loop3A_344 {strides = array<i32>} : memref<4x4x1024xf32, #tpu.memory_space<vmem>>, vector<1x1x16xf32>,
        %parallel_loop3A_345 = arith.constant 3 : i32
        %parallel_loop3A_346 = arith.constant 1 : i32
        %parallel_loop3A_347 = arith.index_cast %parallel_loop3A_345 : i32 to index
        %parallel_loop3A_348 = arith.index_cast %parallel_loop3A_346 : i32 to index
        %parallel_loop3A_349 = arith.index_cast %parallel_loop3A_116 : i32 to index
        %parallel_loop3A_350 = tpu.vector_load %arg6[%parallel_loop3A_347, %parallel_loop3A_348, %parallel_loop3A_349] {strides = array<i32>} : memref<4x4x1024xf32, #tpu.memory_space<vmem>>, vector<1x1x16xf32>,
        %parallel_loop3A_351 = vector.shape_cast %parallel_loop3A_350 : vector<1x1x16xf32> to vector<16xf32>
        %parallel_loop3A_352 = arith.addf %parallel_loop3A_351, %parallel_loop3A_328 : vector<16xf32>
        %parallel_loop3A_353 = arith.constant 3 : i32
        %parallel_loop3A_354 = arith.constant 1 : i32
        %parallel_loop3A_355 = arith.index_cast %parallel_loop3A_353 : i32 to index
        %parallel_loop3A_356 = arith.index_cast %parallel_loop3A_354 : i32 to index
        %parallel_loop3A_357 = arith.index_cast %parallel_loop3A_116 : i32 to index
        %parallel_loop3A_358 = tpu.vector_load %arg10[%parallel_loop3A_355, %parallel_loop3A_356, %parallel_loop3A_357] {strides = array<i32>} : memref<4x4x1024xf32, #tpu.memory_space<vmem>>, vector<1x1x16xf32>,
        %parallel_loop3A_359 = vector.shape_cast %parallel_loop3A_358 : vector<1x1x16xf32> to vector<16xf32>
        %parallel_loop3A_360 = vector.shape_cast %parallel_loop3A_352 : vector<16xf32> to vector<1x1x16xf32>
        tpu.vector_store %arg10[%parallel_loop3A_355, %parallel_loop3A_356, %parallel_loop3A_357], %parallel_loop3A_360 {strides = array<i32>} : memref<4x4x1024xf32, #tpu.memory_space<vmem>>, vector<1x1x16xf32>,
        %parallel_loop3A_361 = arith.constant 3 : i32
        %parallel_loop3A_362 = arith.constant 2 : i32
        %parallel_loop3A_363 = arith.index_cast %parallel_loop3A_361 : i32 to index
        %parallel_loop3A_364 = arith.index_cast %parallel_loop3A_362 : i32 to index
        %parallel_loop3A_365 = arith.index_cast %parallel_loop3A_116 : i32 to index
        %parallel_loop3A_366 = tpu.vector_load %arg6[%parallel_loop3A_363, %parallel_loop3A_364, %parallel_loop3A_365] {strides = array<i32>} : memref<4x4x1024xf32, #tpu.memory_space<vmem>>, vector<1x1x16xf32>,
        %parallel_loop3A_367 = vector.shape_cast %parallel_loop3A_366 : vector<1x1x16xf32> to vector<16xf32>
        %parallel_loop3A_368 = arith.addf %parallel_loop3A_367, %parallel_loop3A_328 : vector<16xf32>
        %parallel_loop3A_369 = arith.constant 3 : i32
        %parallel_loop3A_370 = arith.constant 2 : i32
        %parallel_loop3A_371 = arith.index_cast %parallel_loop3A_369 : i32 to index
        %parallel_loop3A_372 = arith.index_cast %parallel_loop3A_370 : i32 to index
        %parallel_loop3A_373 = arith.index_cast %parallel_loop3A_116 : i32 to index
        %parallel_loop3A_374 = tpu.vector_load %arg10[%parallel_loop3A_371, %parallel_loop3A_372, %parallel_loop3A_373] {strides = array<i32>} : memref<4x4x1024xf32, #tpu.memory_space<vmem>>, vector<1x1x16xf32>,
        %parallel_loop3A_375 = vector.shape_cast %parallel_loop3A_374 : vector<1x1x16xf32> to vector<16xf32>
        %parallel_loop3A_376 = vector.shape_cast %parallel_loop3A_368 : vector<16xf32> to vector<1x1x16xf32>
        tpu.vector_store %arg10[%parallel_loop3A_371, %parallel_loop3A_372, %parallel_loop3A_373], %parallel_loop3A_376 {strides = array<i32>} : memref<4x4x1024xf32, #tpu.memory_space<vmem>>, vector<1x1x16xf32>,
        %parallel_loop3A_377 = arith.constant 3 : i32
        %parallel_loop3A_378 = arith.constant 3 : i32
        %parallel_loop3A_379 = arith.index_cast %parallel_loop3A_377 : i32 to index
        %parallel_loop3A_380 = arith.index_cast %parallel_loop3A_378 : i32 to index
        %parallel_loop3A_381 = arith.index_cast %parallel_loop3A_116 : i32 to index
        %parallel_loop3A_382 = tpu.vector_load %arg6[%parallel_loop3A_379, %parallel_loop3A_380, %parallel_loop3A_381] {strides = array<i32>} : memref<4x4x1024xf32, #tpu.memory_space<vmem>>, vector<1x1x16xf32>,
        %parallel_loop3A_383 = vector.shape_cast %parallel_loop3A_382 : vector<1x1x16xf32> to vector<16xf32>
        %parallel_loop3A_384 = arith.addf %parallel_loop3A_383, %parallel_loop3A_328 : vector<16xf32>
        %parallel_loop3A_385 = arith.constant 3 : i32
        %parallel_loop3A_386 = arith.constant 3 : i32
        %parallel_loop3A_387 = arith.index_cast %parallel_loop3A_385 : i32 to index
        %parallel_loop3A_388 = arith.index_cast %parallel_loop3A_386 : i32 to index
        %parallel_loop3A_389 = arith.index_cast %parallel_loop3A_116 : i32 to index
        %parallel_loop3A_390 = tpu.vector_load %arg10[%parallel_loop3A_387, %parallel_loop3A_388, %parallel_loop3A_389] {strides = array<i32>} : memref<4x4x1024xf32, #tpu.memory_space<vmem>>, vector<1x1x16xf32>,
        %parallel_loop3A_391 = vector.shape_cast %parallel_loop3A_390 : vector<1x1x16xf32> to vector<16xf32>
        %parallel_loop3A_392 = vector.shape_cast %parallel_loop3A_384 : vector<16xf32> to vector<1x1x16xf32>
        tpu.vector_store %arg10[%parallel_loop3A_387, %parallel_loop3A_388, %parallel_loop3A_389], %parallel_loop3A_392 {strides = array<i32>} : memref<4x4x1024xf32, #tpu.memory_space<vmem>>, vector<1x1x16xf32>,
      } {sc.loop_unroll_factor = 1 : i64, sc.parallel_access}
      %dma_start3A_103 = arith.constant 0 : i32
      %dma_start3A_104 = arith.constant 0 : i32
      %dma_start3A_105 = tpu.memref_slice %arg4[%add3A_84, %dma_start3A_103, %dma_start3A_104] : memref<2048x4x1024xf32, #tpu.memory_space<hbm>> -> memref<4x4x1024xf32, #tpu.memory_space<hbm>>
      %dma_start3A_106 = arith.constant 0 : i32
      %dma_start3A_107 = arith.constant 0 : i32
      %dma_start3A_108 = tpu.memref_slice %arg4[%add3A_84, %dma_start3A_106, %dma_start3A_107] : memref<2048x4x1024xf32, #tpu.memory_space<hbm>> -> memref<4x4x1024xf32, #tpu.memory_space<hbm>>
      tpu.enqueue_dma source(%arg10 : memref<4x4x1024xf32, #tpu.memory_space<vmem>>) target(%dma_start3A_108 : memref<4x4x1024xf32, #tpu.memory_space<hbm>>) target_semaphore(%arg16 : memref<!tpu.dma_semaphore, #tpu.memory_space<semaphore_mem>>)
      %lt3A_109 = arith.constant 7 : i32
      %lt3A_110 = arith.cmpi slt, %scan3A_46, %lt3A_109 : i32
      %convert_element_type3A_111 = arith.extui %lt3A_110 : i1 to i32
      %cond3A_112 = arith.constant 0 : i32
      %cond3A_113 = arith.cmpi ne, %convert_element_type3A_111, %cond3A_112 : i32
      scf.if %cond3A_113 {
        %add3A_114 = arith.constant 2 : i32
        %add3A_115 = arith.addi %add3A_81, %add3A_114 : i32
        %mul3A_116 = arith.constant 4 : i32
        %mul3A_117 = arith.muli %add3A_115, %mul3A_116 : i32
        %add3A_118 = arith.addi %mul3A_2, %mul3A_117 : i32
        %dma_start3A_119 = arith.constant 0 : i32
        %dma_start3A_120 = arith.constant 0 : i32
        %dma_start3A_121 = tpu.memref_slice %arg2[%add3A_118, %dma_start3A_119, %dma_start3A_120] : memref<2048x4x1024xf32, #tpu.memory_space<hbm>> -> memref<4x4x1024xf32, #tpu.memory_space<hbm>>
        %dma_start3A_122 = arith.constant 0 : i32
        %dma_start3A_123 = arith.constant 0 : i32
        %dma_start3A_124 = tpu.memref_slice %arg2[%add3A_118, %dma_start3A_122, %dma_start3A_123] : memref<2048x4x1024xf32, #tpu.memory_space<hbm>> -> memref<4x4x1024xf32, #tpu.memory_space<hbm>>
        tpu.enqueue_dma source(%dma_start3A_124 : memref<4x4x1024xf32, #tpu.memory_space<hbm>>) target(%arg6 : memref<4x4x1024xf32, #tpu.memory_space<vmem>>) target_semaphore(%arg12 : memref<!tpu.dma_semaphore, #tpu.memory_space<semaphore_mem>>)
        %dma_start3A_125 = arith.constant 0 : i32
        %dma_start3A_126 = tpu.memref_slice %arg3[%add3A_118, %dma_start3A_125] : memref<2048x1024xf32, #tpu.memory_space<hbm>> -> memref<4x1024xf32, #tpu.memory_space<hbm>>
        %dma_start3A_127 = arith.constant 0 : i32
        %dma_start3A_128 = tpu.memref_slice %arg3[%add3A_118, %dma_start3A_127] : memref<2048x1024xf32, #tpu.memory_space<hbm>> -> memref<4x1024xf32, #tpu.memory_space<hbm>>
        tpu.enqueue_dma source(%dma_start3A_128 : memref<4x1024xf32, #tpu.memory_space<hbm>>) target(%arg8 : memref<4x1024xf32, #tpu.memory_space<vmem>>) target_semaphore(%arg14 : memref<!tpu.dma_semaphore, #tpu.memory_space<semaphore_mem>>)
      } else {
      }
    }
    %scan3A_30 = arith.constant 8 : i32
    %add3A_31 = arith.constant 56 : i32
    %add3A_32 = arith.addi %mul3A_2, %add3A_31 : i32
    %dma_wait3A = arith.constant 0 : i32
    %dma_wait3A_33 = arith.constant 0 : i32
    %dma_wait3A_34 = tpu.memref_slice %arg4[%add3A_32, %dma_wait3A, %dma_wait3A_33] : memref<2048x4x1024xf32, #tpu.memory_space<hbm>> -> memref<4x4x1024xf32, #tpu.memory_space<hbm>>
    %dma_wait3A_35 = arith.constant 0 : i32
    %dma_wait3A_36 = arith.constant 0 : i32
    %dma_wait3A_37 = tpu.memref_slice %arg4[%add3A_32, %dma_wait3A_35, %dma_wait3A_36] : memref<2048x4x1024xf32, #tpu.memory_space<hbm>> -> memref<4x4x1024xf32, #tpu.memory_space<hbm>>
    tpu.wait_dma2 semaphore(%arg15 : memref<!tpu.dma_semaphore, #tpu.memory_space<semaphore_mem>>) src(%arg9 : memref<4x4x1024xf32, #tpu.memory_space<vmem>>) dst(%dma_wait3A_37 : memref<4x4x1024xf32, #tpu.memory_space<hbm>>)
    %add3A_38 = arith.constant 60 : i32
    %add3A_39 = arith.addi %mul3A_2, %add3A_38 : i32
    %dma_wait3A_40 = arith.constant 0 : i32
    %dma_wait3A_41 = arith.constant 0 : i32
    %dma_wait3A_42 = tpu.memref_slice %arg4[%add3A_39, %dma_wait3A_40, %dma_wait3A_41] : memref<2048x4x1024xf32, #tpu.memory_space<hbm>> -> memref<4x4x1024xf32, #tpu.memory_space<hbm>>
    %dma_wait3A_43 = arith.constant 0 : i32
    %dma_wait3A_44 = arith.constant 0 : i32
    %dma_wait3A_45 = tpu.memref_slice %arg4[%add3A_39, %dma_wait3A_43, %dma_wait3A_44] : memref<2048x4x1024xf32, #tpu.memory_space<hbm>> -> memref<4x4x1024xf32, #tpu.memory_space<hbm>>
    tpu.wait_dma2 semaphore(%arg16 : memref<!tpu.dma_semaphore, #tpu.memory_space<semaphore_mem>>) src(%arg10 : memref<4x4x1024xf32, #tpu.memory_space<vmem>>) dst(%dma_wait3A_45 : memref<4x4x1024xf32, #tpu.memory_space<hbm>>)
    return
  }
}

</mosaic_0001>

<sc_bundles>
// kernel: kernel.3.cloned.1.call-start
scs
__scs_entry_jumppad:
0x0: {  	(pc) =	sbr.rel $0x88, $3  }
0x1: {  	(tag) =	ssettag $0x0;
	lr =	simm.s32 $0x1  }
0x2: {  	[smem:$0x3F9F] =	sst lr;
	_ =	strace $0xD0000000  }
0x3: {  	_ = 	snop  }
0x4: {  	_ = 	snop  }
0x5: {  	_ = 	snop  }
0x6: {  	_ = 	snop  }
0x7: {  	_ = 	snop  }
__scs_overlays_trampoline_lowered:
0x8: {  	[smem:$0x3FAE] =	sst s0  }
0x9: {  	[smem:$0x3FAF] =	sst s1  }
0xa: {  	[smem:$0x3FB0] =	sst s2  }
0xb: {  	[smem:$0x3FB1] =	sst s3  }
0xc: {  	[smem:$0x3FB2] =	sst s4  }
0xd: {  	[smem:$0x3FB3] =	sst s5  }
0xe: {  	[smem:$0x3FB4] =	sst s6  }
0xf: {  	[smem:$0x3FB5] =	sst s7  }
0x10: {  	[smem:$0x3FB6] =	sst s8  }
0x11: {  	[smem:$0x3FB7] =	sst s9;
	s0 =	simm.s32 @!p0 $0x0  }
0x12: {  	s1 =	sld [smem:$0x3F9D];
	s0 =	simm.s32 @p0 $0x1  }
0x13: {  	[smem:$0x3FB8] =	sst s0;
	s0 =	simm.s32 @!p1 $0x0  }
0x14: {  	s2 =	sld [smem:$0x3F9C];
	s0 =	simm.s32 @p1 $0x1  }
0x15: {  	[smem:$0x3FB9] =	sst s0;
	s0 =	simm.s32 @!p2 $0x0  }
0x16: {  	s3 =	sld [smem:$0x3FDB];
	s0 =	simm.s32 @p2 $0x1  }
0x17: {  	s4 =	simm.s32 $0x1BF5;
	[smem:$0x3FBB] =	sst s0  }
0x18: {  	s0 =	sld [smem:$0x3F9E];
	_ =	swait.ge [sflag:s4], $0x0  }
0x19: {  	s7 =	sld [smem:$0x3F9F]  }
0x1a: {  	s8 =	sadd.s32 $0xFFFFE003, lr  }
0x1b: {  	s9 =	sadd.s32 $0xFFFFFEF7, lr;
	s5 =	simm.s32 $0xFFFFFFFF;
	p2 =	slt.u32 s8, $0xFFFFF086  }
0x1c: {  	p1 =	slt.u32 s9, $0xF7A;
	s5 =	simm.s32 @!p2 $0x0  }
0x1d: {  	s5 =	simm.s32 @p1 $0x1;
	p0 =	seq.s32 s7, s2  }
0x1e: {  	s7 =	smul.u32 @!p0 $0xF7A, s2;
	p2 =	seq.s32 @!p0 s5, $0x0  }
0x1f: {  	s9 =	smul.u32 $0xF7A, s1;
	s8 =	simm.s32 @!p0 $0x1BF5;
	p2 =	por !p2, p0  }
0x20: {  	[sflag:s8] =	ssyncset.s32 @!p0 $0xFFFFF086;
	s6 =	sadd.s32 @!p0 s3, s7;
	s7 =	simm.s32 @!p0 $0x108  }
0x21: {  	s3 =	sadd.s32 s3, s9;
	s6 =	sadd.s32 @!p0 $0x88, s6;
	s7 =	simm.s32 @p2 $0x1082  }
0x22: {  	[simem:s7], [sflag:s8] =	dma.local @!p0 [hbm:s6], $0xF7A  }
0x23: {  	s9 =	sor.u32 $0xD0000000, s2;
	s6 =	simm.s32 $0x108;
	_ =	swait.ge @!p0 [sflag:s8], $0x0  }
0x24: {  	s3 =	sadd.s32 $0x88, s3;
	s6 =	simm.s32 @!p1 $0x1082;
	[sflag:s4] =	ssyncset.s32 $0xFFFFF086  }
0x25: {  	[simem:s6], [sflag:s4] =	dma.local [hbm:s3], $0xF7A  }
0x26: {  	[smem:$0x3F9F] =	sst s1;
	(tag) =	ssettag s2;
	_ =	strace s9  }
0x27: {  	s1 =	sld [smem:$0x3FAF]  }
0x28: {  	s2 =	sld [smem:$0x3FB0]  }
0x29: {  	s4 =	sld [smem:$0x3FB2]  }
0x2a: {  	p0 =	seq.s32 s5, $0x0;
	s5 =	sld [smem:$0x3FB3]  }
0x2b: {  	s6 =	sld [smem:$0x3FB4]  }
0x2c: {  	s7 =	sld [smem:$0x3FB5]  }
0x2d: {  	s3 =	simm.s32 $0x108;
	s8 =	sld [smem:$0x3FB6]  }
0x2e: {  	s3 =	simm.s32 @!p0 $0x1082;
	s9 =	sld [smem:$0x3FB7]  }
0x2f: {  	lr =	sadd.s32 s0, s3;
	s0 =	sld [smem:$0x3FAE]  }
0x30: {  	s3 =	sld [smem:$0x3FB1]  }
0x31: {  	[smem:$0x3FBA] =	sst s10  }
0x32: {  	s10 =	sld [smem:$0x3FB8];
	_ =	sdelay $0x3  }
0x33: {  	p0 =	seq.s32 s10, $0x1;
	s10 =	sld [smem:$0x3FBA];
	_ =	sdelay $0x3  }
0x34: {  	[smem:$0x3FBA] =	sst s10  }
0x35: {  	s10 =	sld [smem:$0x3FB9];
	_ =	sdelay $0x3  }
0x36: {  	p1 =	seq.s32 s10, $0x1;
	s10 =	sld [smem:$0x3FBA];
	_ =	sdelay $0x3  }
0x37: {  	[smem:$0x3FBA] =	sst s10  }
0x38: {  	s10 =	sld [smem:$0x3FBB]  }
0x39: {  	_ = 	snop;
	(pc) =	sbr.ind lr, $3  }
0x3a: {  	_ = 	snop  }
0x3b: {  	_ = 	snop  }
0x3c: {  	p2 =	seq.s32 s10, $0x1;
	s10 =	sld [smem:$0x3FBA]  }
0x3d: {  	_ =	shalt  }
0x3e: {  	_ =	shalt  }
0x3f: {  	_ =	shalt  }
0x40: {  	_ =	shalt  }
0x41: {  	_ =	shalt  }
0x42: {  	_ =	shalt  }
0x43: {  	_ =	shalt  }
0x44: {  	_ =	shalt  }
0x45: {  	_ =	shalt  }
0x46: {  	_ =	shalt  }
0x47: {  	_ =	shalt  }
0x48: {  	_ =	shalt  }
0x49: {  	_ =	shalt  }
0x4a: {  	_ =	shalt  }
0x4b: {  	_ =	shalt  }
0x4c: {  	_ =	shalt  }
0x4d: {  	_ =	shalt  }
0x4e: {  	_ =	shalt  }
0x4f: {  	_ =	shalt  }
0x50: {  	_ =	shalt  }
0x51: {  	_ =	shalt  }
0x52: {  	_ =	shalt  }
0x53: {  	_ =	shalt  }
0x54: {  	_ =	shalt  }
0x55: {  	_ =	shalt  }
0x56: {  	_ =	shalt  }
0x57: {  	_ =	shalt  }
0x58: {  	_ =	shalt  }
0x59: {  	_ =	shalt  }
0x5a: {  	_ =	shalt  }
0x5b: {  	_ =	shalt  }
0x5c: {  	_ =	shalt  }
0x5d: {  	_ =	shalt  }
0x5e: {  	_ =	shalt  }
0x5f: {  	_ =	shalt  }
0x60: {  	_ =	shalt  }
0x61: {  	_ =	shalt  }
0x62: {  	_ =	shalt  }
0x63: {  	_ =	shalt  }
0x64: {  	_ =	shalt  }
0x65: {  	_ =	shalt  }
0x66: {  	_ =	shalt  }
0x67: {  	_ =	shalt  }
0x68: {  	_ =	shalt  }
0x69: {  	_ =	shalt  }
0x6a: {  	_ =	shalt  }
0x6b: {  	_ =	shalt  }
0x6c: {  	_ =	shalt  }
0x6d: {  	_ =	shalt  }
0x6e: {  	_ =	shalt  }
0x6f: {  	_ =	shalt  }
0x70: {  	_ =	shalt  }
0x71: {  	_ =	shalt  }
0x72: {  	_ =	shalt  }
0x73: {  	_ =	shalt  }
0x74: {  	_ =	shalt  }
0x75: {  	_ =	shalt  }
0x76: {  	_ =	shalt  }
0x77: {  	_ =	shalt  }
0x78: {  	_ =	shalt  }
0x79: {  	_ =	shalt  }
0x7a: {  	_ =	shalt  }
0x7b: {  	_ =	shalt  }
0x7c: {  	_ =	shalt  }
0x7d: {  	_ =	shalt  }
0x7e: {  	_ =	shalt  }
0x7f: {  	_ =	shalt  }
0x80: {  	_ =	shalt  }
0x81: {  	_ =	shalt  }
0x82: {  	_ =	shalt  }
0x83: {  	_ =	shalt  }
0x84: {  	_ =	shalt  }
0x85: {  	_ =	shalt  }
0x86: {  	_ =	shalt  }
0x87: {  	_ =	shalt  }
.Lfunc_end0:
.L_simem_size_0:
called_computation_lowered:
.L_overlay_start_0:
0x88: {  	s2 =	sld [smem:$0x3FD9]  }
0x89: {  	s3 =	sld [smem:$0x3FFE];
	_ =	sdelay $0x1  }
0x8a: {  	s1 =	srdreg.scid  }
0x8b: {  	s0 =	sand.u32 $0x1, s1  }
0x8c: {  	s18 =	sshll.u32 s0, $0xA;
	s2 =	sadd.s32 s3, s2  }
0x8d: {  	s2 =	sadd.s32 s2, s18  }
0x8e: {  	[smem:$0x3FC6] =	sst s2  }
0x8f: {  	_ = 	snop  }
0x90: {  	s2 =	sld [smem:$0x3FC9]  }
0x91: {  	s19 =	sld [smem:$0x3FC8]  }
0x92: {  	s4 =	sld [smem:$0x3FD0];
	(tm) =	ssettm $0x1  }
0x93: {  	s5 =	sld [smem:$0x3FFB];
	_ =	sdelay $0x3  }
0x94: {  	_ =	strace s5  }
0x95: {  	s5 =	sld [smem:$0x3FFC];
	_ =	sdelay $0x3  }
0x96: {  	_ =	strace s5  }
0x97: {  	s5 =	sld [smem:$0x3FFD];
	_ =	sdelay $0x3  }
0x98: {  	_ =	strace s5  }
0x99: {  	_ =	strace $0x8FFFFFFF  }
0x9a: {  	s20 =	sld [smem:$0x3FDB];
	_ =	sdelay $0x1  }
0x9b: {  	s6 =	simm.s32 $_scs_section_size  }
0x9c: {  	s7 =	simm.s32 $_size__tile_overlayer_lowered;
	s8 =	simm.s32 $_tile_overlayer_lowered  }
0x9d: {  	s23 =	simm.s32 $0x1BFF;
	s22 =	sshll.u32 s8, $0x1;
	s5 =	sadd.s32 s6, s20  }
0x9e: {  	s9 =	simm.s32 $0x0;
	s21 =	sshll.u32 s7, $0x1;
	s7 =	sadd.s32 s22, s5  }
0x9f: {  	[timem:s9], [sflag:s23] =	dma.local [hbm:s7], s21  }
0xa0: {  	_ =	swait.ge [sflag:s23], s21  }
0xa1: {  	s6 =	ssub.s32 $0x0, s21;
	[sflag:s23] =	ssyncset.done $0x0  }
0xa2: {  	[sflag:s23] =	ssyncadd.s32 s6;
	_ =	sdelay $0x1  }
0xa3: {  	s24 =	simm.s32 $0x1B8B  }
0xa4: {  	_ =	swait.ge [sflag:s24], $0x1  }
0xa5: {  	[sflag:s24] =	ssyncset.done $0x0  }
0xa6: {  	s25 =	simm.s32 $0x1B8E;
	[sflag:s24] =	ssyncadd.s32 $0xFFFFFFFF  }
0xa7: {  	s26 =	simm.s32 $execute0_lowered;
	[smem:$0x3FD2] =	sst s25  }
0xa8: {  	s6 =	sshll.u32 s26, $0x1;
	_ =	strace $0x80000046;
	[dreg:$0x1] =	wrdreg $0xFFFFFFFF  }
0xa9: {  	s28 =	simm.s32 $_size_execute0_lowered;
	s5 =	sadd.s32 s5, s6;
	[dreg:$0x0] =	wrdreg $0x0  }
0xaa: {  	s6 =	sshll.u32 s28, $0x1;
	[dreg:$0x2] =	wrdreg s5  }
0xab: {  	[dreg:$0x3] =	wrdreg s6  }
0xac: {  	[dreg:$0x4] =	wrdreg $0xC0  }
0xad: {  	_ =	task [dreg:s9], $0x5FFFF  }
0xae: {  	[dreg:$0x1] =	wrdreg $0xFFFFFFFF  }
0xaf: {  	[dreg:$0x0] =	wrdreg $0x60  }
0xb0: {  	[dreg:$0x2] =	wrdreg s2  }
0xb1: {  	[dreg:$0x3] =	wrdreg s19  }
0xb2: {  	[dreg:$0x4] =	wrdreg s4  }
0xb3: {  	[dreg:$0x5] =	wrdreg $0x9  }
0xb4: {  	_ =	task.clear_ibuf [dreg:s9], $0x6FFFF;
	_ =	strace $0x90000046  }
0xb5: {  	s29 =	simm.s32 $0x9;
	_ =	strace $0x80000048  }
0xb6: {  	_ =	swait.ge [sflag:s29], $0x1  }
0xb7: {  	[sflag:s29] =	ssyncadd.s32 $0xFFFFFFFF  }
0xb8: {  	_ =	strace $0x90000048  }
0xb9: {  	_ =	sfence  }
0xba: {  	s30 =	sld [smem:$0x0];
	_ =	sdelay $0x2  }
0xbb: {  	s31 =	sshll.u32 s1, $0xD;
	s1 =	sshrl.u32 s1, $0x2  }
0xbc: {  	s3 =	sand.u32 $0x4000, s31;
	s1 =	sadd.s32 s1, s30  }
0xbd: {  	s0 =	sor.u32 s3, s0;
	s1 =	sshll.u32 s1, $0x11  }
0xbe: {  	s0 =	sor.u32 s1, s0  }
0xbf: {  	s0 =	sadd.s32 $0x8F2B, s0  }
0xc0: {  	[sflag:s0] =	ssyncadd.remote.s32 $0x1  }
0xc1: {  	_ =	sfence.sel $0xFFFF  }
0xc2: {  	[dreg:$0x0] =	wrdreg $0xFFFFFFFF;
	(pc) =	sbr.abs _section_cstart, $3  }
0xc3: {  	[dreg:$0x1] =	wrdreg $0xFFFFFFFF  }
0xc4: {  	_ =	task.clear_ibuf [dreg:s9], $0x2FFFF;
	_ =	strace $0x9FFFFFFF  }
0xc5: {  	(tm) =	ssettm $0x7FFFFFFF  }
tec
execute0_lowered:
.L_overlay_start_1:
0x0: {  	(tag) =	ssettag $0x1  }
0x1: {  	s1 =	rddreg [dreg:$0x0]  }
0x2: {  	s2 =	rddreg [dreg:$0x1]  }
0x3: {  	s4 =	rddreg [dreg:$0x2];
	s0 =	srdreg.scid;
	s5 =	simm.s32 $0x0  }
0x4: {  	s6 =	stileid.u32;
	s16 =	simm.s32 $0x200;
	s17 =	simm.s32 $0x400  }
0x5: {  	s19 =	simm.s32 $0x4000;
	s20 =	simm.s32 $0x9000;
	s21 =	simm.s32 $0x1  }
0x6: {  	s22 =	simm.s32 $0x3;
	s23 =	simm.s32 $0xA000;
	s24 =	simm.s32 $0x2  }
0x7: {  	s28 =	simm.s32 $0x5;
	s29 =	simm.s32 $0x6;
	s30 =	simm.s32 $0x0  }
0x8: {  	s0 =	sand.u32 $0x1, s0;
	s6 =	sshll.u32 s6, $0x6;
	[smem:$0x7FF] =	sst s5  }
0x9: {  	s8 =	sadd.s32 $0x40, s2;
	s3 =	ssub.s32 $0x2, s0;
	s0 =	sshll.u32 s0, $0xA  }
0xa: {  	_ =	strace $0x80000047;
	s7 =	sshrl.u32 s3, $0x1;
	s6 =	sor.u32 s6, s0  }
0xb: {  	s25 =	ssub.s32 s3, s7;
	s26 =	sshll.u32 s6, $0x9;
	s9 =	sshll.u32 s6, $0x7  }
.Ltmp0:
0xc: {  	s13 =	sor.u32 $0x8, s6;
	s10 =	sadd.s32 s2, s9;
	(pc) =	sbr.rel .LBB2_1-.Ltmp0, $4  }
0xd: {  	s14 =	sor.u32 $0xC, s6;
	s9 =	sadd.s32 s9, s8;
	[dreg:$0x4] =	wrdreg s10  }
0xe: {  	s7 =	sadd.s32 s1, s26;
	s0 =	smax.u32 s25, $0x1;
	[dreg:$0x6] =	wrdreg s9  }
0xf: {  	s12 =	sadd.s32 s4, s26;
	s31 =	sadd.s32 $0x800, s7;
	[dreg:$0x7] =	wrdreg s0  }
0x10: {  	s25 =	simm.s32 $0x4;
	s26 =	simm.s32 $0xE000;
	[dreg:$0x5] =	wrdreg s31  }
.LBB2_8:
0x11: {  	_ =	swait.ge [sflag:s28], $0x4000  }
0x12: {  	[sflag:s28] =	ssyncset.done $0x0  }
0x13: {  	[sflag:s28] =	ssyncadd.s32 $0xFFFFC000  }
0x14: {  	_ =	swait.ge [sflag:s29], $0x4000  }
0x15: {  	s30 =	sadd.s32 $0x1, s30;
	s0 =	rddreg [dreg:$0x7]  }
0x16: {  	p0 =	sne.s32 s30, s0  }
.Ltmp1:
0x17: {  	_ = 	snop;
	(pc) =	sbr.rel @!p0 .LBB2_9-.Ltmp1, $3  }
0x18: {  	_ =	sdelay $0x1  }
0x19: {  	[sflag:s29] =	ssyncset.done $0x0  }
0x1a: {  	[sflag:s29] =	ssyncadd.s32 $0xFFFFC000  }
.LBB2_1:
0x1b: {  	[tilespmem:s5], [sflag:$0x1] =	stream.linear.gather [hbm4b:s7+s5], $0x4000, $0x38;
	[tilespmem:$0x12000] =	vst v63  }
0x1c: {  	s0 =	rddreg [dreg:$0x4];
	s3 =	simm.s32 $0x8000  }
0x1d: {  	[tilespmem:s3], [sflag:$0x3] =	stream.strided.gather [hbm4b:s0+s16], $0x1000, s17, s16, $0x38;
	[tilespmem:$0x12000] =	vst v63  }
0x1e: {  	s15 =	rddreg [dreg:$0x5]  }
0x1f: {  	[tilespmem:s19], [sflag:$0x2] =	stream.linear.gather [hbm4b:s15+s5], $0x4000, $0x38;
	[tilespmem:$0x12000] =	vst v63  }
0x20: {  	s18 =	rddreg [dreg:$0x6];
	s31 =	simm.s32 $0x0  }
0x21: {  	[tilespmem:s20], [sflag:$0x4] =	stream.strided.gather [hbm4b:s18+s16], $0x1000, s17, s16, $0x38;
	[tilespmem:$0x12000] =	vst v63  }
.LBB2_2:
0x22: {  	_ =	swait.ge [sflag:s21], $0x4000  }
0x23: {  	[sflag:s21] =	ssyncset.done $0x0  }
0x24: {  	[sflag:s21] =	ssyncadd.s32 $0xFFFFC000  }
0x25: {  	_ =	swait.ge [sflag:s22], $0x1000  }
0x26: {  	p0 =	seq.s32 s31, $0x0;
	[sflag:s22] =	ssyncset.done $0x0  }
0x27: {  	s0 =	simm.s32 @!p0 $0x5;
	[sflag:s22] =	ssyncadd.s32 $0xFFFFF000  }
0x28: {  	s3 =	simm.s32 $0x0;
	_ =	swait.ge @!p0 [sflag:s0], $0x4000  }
0x29: {  	s9 =	sand.u32 $0x70, s3;
	s3 =	sand.u32 $0xE00, s3;
	[sflag:s0] =	ssyncset.done @!p0 $0x0  }
0x2a: {  	s3 =	sor.u32 s9, s3;
	[sflag:s0] =	ssyncadd.s32 @!p0 $0xFFFFC000  }
0x2b: {  	v0 =	vld [tilespmem:s3+$0x8180]  }
0x2c: {  	v1 =	vld [tilespmem:s3+$0x3180]  }
0x2d: {  	v2 =	vld [tilespmem:s3+$0x8000]  }
0x2e: {  	v3 =	vld [tilespmem:s3+$0x0]  }
0x2f: {  	v4 =	vld [tilespmem:s3+$0x80]  }
0x30: {  	v5 =	vld [tilespmem:s3+$0x100]  }
0x31: {  	v6 =	vld [tilespmem:s3+$0x180]  }
0x32: {  	v7 =	vld [tilespmem:s3+$0x8080];
	v1 =	vadd.f32 v1, v0  }
0x33: {  	v8 =	vld [tilespmem:s3+$0x1000];
	v3 =	vadd.f32 v3, v2  }
0x34: {  	v9 =	vld [tilespmem:s3+$0x1080];
	[tilespmem:s3+$0xD180] =	vst v1  }
0x35: {  	v1 =	vadd.f32 v4, v2;
	[tilespmem:s3+$0xA000] =	vst v3;
	v3 =	vld [tilespmem:s3+$0x1100]  }
0x36: {  	v10 =	vld [tilespmem:s3+$0x1180];
	v4 =	vadd.f32 v5, v2;
	v2 =	vadd.f32 v6, v2  }
0x37: {  	v6 =	vld [tilespmem:s3+$0x2000];
	[tilespmem:s3+$0xA080] =	vst v1  }
0x38: {  	v1 =	vld [tilespmem:s3+$0x8100];
	[tilespmem:s3+$0xA180] =	vst v2;
	v2 =	vadd.f32 v8, v7  }
0x39: {  	[tilespmem:s3+$0xA100] =	vst v4;
	v8 =	vld [tilespmem:s3+$0x2080];
	v4 =	vadd.f32 v9, v7  }
0x3a: {  	v5 =	vld [tilespmem:s3+$0x2100];
	[tilespmem:s3+$0xB000] =	vst v2;
	v2 =	vadd.f32 v3, v7  }
0x3b: {  	[tilespmem:s3+$0xB080] =	vst v4;
	v4 =	vadd.f32 v10, v7;
	v3 =	vld [tilespmem:s3+$0x2180]  }
0x3c: {  	s18 =	simm.s32 $0x10;
	s9 =	simm.s32 $0x40;
	[tilespmem:s3+$0xB100] =	vst v2;
	v2 =	vld [tilespmem:s3+$0x3000]  }
0x3d: {  	s10 =	sand.u32 $0x70, s18;
	s11 =	sand.u32 $0xE00, s9;
	[tilespmem:s3+$0xB180] =	vst v4;
	v4 =	vld [tilespmem:s3+$0x3080];
	v7 =	vadd.f32 v6, v1  }
0x3e: {  	s18 =	sor.u32 s10, s11;
	s10 =	simm.s32 $0x20;
	s0 =	sshll.u32 s31, $0x3;
	v8 =	vadd.f32 v8, v1;
	v6 =	vld [tilespmem:s3+$0x3100]  }
.LBB2_3:
0x3f: {  	p1 =	sne.s32 s10, $0x3F0;
	v9 =	vld [tilespmem:s18+$0x8180];
	[tilespmem:s3+$0xC000] =	vst v7;
	v5 =	vadd.f32 v5, v1  }
0x40: {  	v7 =	vld [tilespmem:s18+$0x3180];
	[tilespmem:s3+$0xC080] =	vst v8;
	v1 =	vadd.f32 v3, v1  }
0x41: {  	v3 =	vld [tilespmem:s18+$0x8000];
	[tilespmem:s3+$0xC100] =	vst v5;
	v2 =	vadd.f32 v2, v0  }
0x42: {  	v5 =	vld [tilespmem:s18+$0x0];
	[tilespmem:s3+$0xC180] =	vst v1;
	v1 =	vadd.f32 v4, v0  }
0x43: {  	v4 =	vld [tilespmem:s18+$0x80];
	[tilespmem:s3+$0xD000] =	vst v2;
	v2 =	vadd.f32 v6, v0  }
0x44: {  	v6 =	vld [tilespmem:s18+$0x100];
	[tilespmem:s3+$0xD080] =	vst v1;
	v0 =	vmov v9  }
0x45: {  	v1 =	vld [tilespmem:s18+$0x180];
	v7 =	vadd.f32 v7, v0;
	[tilespmem:s3+$0xD100] =	vst v2;
	s3 =	smov.u32 s18  }
0x46: {  	v2 =	vld [tilespmem:s3+$0x8080]  }
0x47: {  	v5 =	vadd.f32 v5, v3;
	v8 =	vld [tilespmem:s3+$0x1000];
	[tilespmem:s3+$0xD180] =	vst v7  }
0x48: {  	v4 =	vadd.f32 v4, v3;
	v7 =	vld [tilespmem:s3+$0x1080]  }
0x49: {  	[tilespmem:s3+$0xA000] =	vst v5;
	v5 =	vadd.f32 v6, v3;
	v6 =	vld [tilespmem:s3+$0x1100]  }
0x4a: {  	[tilespmem:s3+$0xA080] =	vst v4;
	v3 =	vadd.f32 v1, v3;
	v4 =	vld [tilespmem:s3+$0x1180]  }
0x4b: {  	[tilespmem:s3+$0xA100] =	vst v5;
	v1 =	vld [tilespmem:s3+$0x8100]  }
0x4c: {  	[tilespmem:s3+$0xA180] =	vst v3;
	v3 =	vadd.f32 v8, v2;
	v8 =	vld [tilespmem:s3+$0x2000]  }
0x4d: {  	v7 =	vadd.f32 v7, v2;
	v9 =	vld [tilespmem:s3+$0x2080]  }
.Ltmp2:
0x4e: {  	[tilespmem:s3+$0xB000] =	vst v3;
	v6 =	vadd.f32 v6, v2;
	v5 =	vld [tilespmem:s3+$0x2100];
	(pc) =	sbr.rel @p1 .LBB2_3-.Ltmp2, $4  }
0x4f: {  	[tilespmem:s3+$0xB080] =	vst v7;
	v4 =	vadd.f32 v4, v2;
	v3 =	vld [tilespmem:s3+$0x2180]  }
0x50: {  	s9 =	sadd.s32 $0x40, s9;
	[tilespmem:s3+$0xB100] =	vst v6;
	v2 =	vld [tilespmem:s3+$0x3000]  }
0x51: {  	s11 =	sand.u32 $0x70, s10;
	s18 =	sand.u32 $0xE00, s9;
	[tilespmem:s3+$0xB180] =	vst v4;
	v7 =	vadd.f32 v8, v1;
	v4 =	vld [tilespmem:s3+$0x3080]  }
0x52: {  	s10 =	sadd.s32 $0x10, s10;
	s18 =	sor.u32 s11, s18;
	v8 =	vadd.f32 v9, v1;
	v6 =	vld [tilespmem:s3+$0x3100]  }
0x53: {  	v9 =	vld [tilespmem:s18+$0x8180]  }
0x54: {  	v10 =	vld [tilespmem:s18+$0x3180]  }
0x55: {  	v11 =	vld [tilespmem:s18+$0x8000]  }
0x56: {  	v12 =	vld [tilespmem:s18+$0x0]  }
0x57: {  	v13 =	vld [tilespmem:s18+$0x80]  }
0x58: {  	v14 =	vld [tilespmem:s18+$0x100];
	[tilespmem:s3+$0xC000] =	vst v7;
	v5 =	vadd.f32 v5, v1  }
0x59: {  	v15 =	vld [tilespmem:s18+$0x180];
	[tilespmem:s3+$0xC080] =	vst v8;
	v1 =	vadd.f32 v3, v1  }
0x5a: {  	v16 =	vld [tilespmem:s18+$0x8080];
	[tilespmem:s3+$0xC100] =	vst v5;
	v2 =	vadd.f32 v2, v0  }
0x5b: {  	v17 =	vld [tilespmem:s18+$0x1000];
	[tilespmem:s3+$0xC180] =	vst v1;
	v4 =	vadd.f32 v4, v0  }
0x5c: {  	v61 =	vld [tilespmem:s18+$0x1100];
	[tilespmem:s3+$0xD000] =	vst v2;
	v0 =	vadd.f32 v6, v0  }
0x5d: {  	v63 =	vld [tilespmem:s18+$0x8100];
	v10 =	vadd.f32 v10, v9;
	[tilespmem:s3+$0xD080] =	vst v4  }
0x5e: {  	v8 =	vld [tilespmem:s18+$0x2080];
	v12 =	vadd.f32 v12, v11;
	[tilespmem:s3+$0xD100] =	vst v0  }
0x5f: {  	v3 =	vld [tilespmem:s18+$0x2100];
	v13 =	vadd.f32 v13, v11;
	[tilespmem:s18+$0xD180] =	vst v10  }
0x60: {  	v1 =	vld [tilespmem:s18+$0x2180];
	v14 =	vadd.f32 v14, v11;
	[tilespmem:s18+$0xA000] =	vst v12  }
0x61: {  	v2 =	vld [tilespmem:s18+$0x3000];
	v11 =	vadd.f32 v15, v11;
	[tilespmem:s18+$0xA080] =	vst v13  }
0x62: {  	v7 =	vadd.f32 v17, v16;
	[tilespmem:s18+$0xA100] =	vst v14  }
0x63: {  	v6 =	vld [tilespmem:s18+$0x3100];
	v5 =	vadd.f32 v61, v16;
	[tilespmem:s18+$0xA180] =	vst v11  }
0x64: {  	v0 =	vadd.f32 v8, v63;
	v10 =	vld [tilespmem:s18+$0x1080];
	[tilespmem:s18+$0xB000] =	vst v7  }
0x65: {  	v3 =	vadd.f32 v3, v63;
	v11 =	vld [tilespmem:s18+$0x2000];
	[tilespmem:s18+$0xB100] =	vst v5  }
0x66: {  	v5 =	vld [tilespmem:s18+$0x3080];
	[tilespmem:s18+$0xC080] =	vst v0;
	v0 =	vadd.f32 v1, v63;
	v1 =	vadd.f32 v2, v9  }
0x67: {  	v62 =	vld [tilespmem:s18+$0x1180];
	[tilespmem:s18+$0xC100] =	vst v3  }
0x68: {  	[tilespmem:s18+$0xD000] =	vst v1;
	v1 =	vadd.f32 v6, v9  }
0x69: {  	[tilespmem:s18+$0xC180] =	vst v0;
	v7 =	vadd.f32 v10, v16  }
0x6a: {  	v4 =	vadd.f32 v11, v63;
	[tilespmem:s18+$0xD100] =	vst v1  }
0x6b: {  	v0 =	vadd.f32 v5, v9;
	[tilespmem:s18+$0xB080] =	vst v7  }
0x6c: {  	v7 =	vadd.f32 v62, v16;
	[tilespmem:s18+$0xC000] =	vst v4  }
0x6d: {  	s9 =	sshll.u32 s31, $0xC;
	[tilespmem:s18+$0xD080] =	vst v0  }
0x6e: {  	p1 =	seq.s32 s31, $0x7;
	s3 =	sadd.s32 s9, s12;
	[tilespmem:s18+$0xB180] =	vst v7  }
0x6f: {  	[hbm4b:s3+s5] =	stream.linear.scatter [tilespmem:s23], [sflag:$0x5], $0x4000, $0x38;
	[tilespmem:$0x12000] =	vst v63  }
0x70: {  	s3 =	sadd.s32 @!p1 s0, s13  }
0x71: {  	s10 =	simm.s32 @!p1 $0x0;
	s9 =	sshll.u32 @!p1 s3, $0x9  }
0x72: {  	s11 =	simm.s32 @!p1 $0x8000;
	s3 =	sshll.u32 @!p1 s3, $0x7;
	s9 =	sadd.s32 @!p1 s1, s9  }
0x73: {  	[tilespmem:s10], [sflag:$0x1] =	stream.linear.gather @!p1 [hbm4b:s9+s10], $0x4000, $0x38;
	[tilespmem:$0x12000] =	vst v63  }
0x74: {  	s3 =	sadd.s32 @!p1 s2, s3;
	s9 =	simm.s32 @!p1 $0x200;
	s10 =	simm.s32 @!p1 $0x400  }
0x75: {  	[tilespmem:s11], [sflag:$0x3] =	stream.strided.gather @!p1 [hbm4b:s3+s9], $0x1000, s10, s9, $0x38;
	[tilespmem:$0x12000] =	vst v63  }
0x76: {  	_ =	swait.ge [sflag:s24], $0x4000  }
0x77: {  	[sflag:s24] =	ssyncset.done $0x0  }
0x78: {  	[sflag:s24] =	ssyncadd.s32 $0xFFFFC000  }
0x79: {  	_ =	swait.ge [sflag:s25], $0x1000  }
0x7a: {  	[sflag:s25] =	ssyncset.done $0x0  }
0x7b: {  	s3 =	simm.s32 @!p0 $0x6;
	[sflag:s25] =	ssyncadd.s32 $0xFFFFF000  }
0x7c: {  	s10 =	simm.s32 $0x0;
	_ =	swait.ge @!p0 [sflag:s3], $0x4000  }
0x7d: {  	s11 =	sand.u32 $0x70, s10;
	s9 =	sand.u32 $0xE00, s10;
	[sflag:s3] =	ssyncset.done @!p0 $0x0  }
0x7e: {  	[sflag:s3] =	ssyncadd.s32 @!p0 $0xFFFFC000;
	s3 =	sor.u32 s11, s9  }
0x7f: {  	v0 =	vld [tilespmem:s3+$0x9180]  }
0x80: {  	v1 =	vld [tilespmem:s3+$0x7180]  }
0x81: {  	v2 =	vld [tilespmem:s3+$0x9000]  }
0x82: {  	v3 =	vld [tilespmem:s3+$0x4000]  }
0x83: {  	v4 =	vld [tilespmem:s3+$0x4080]  }
0x84: {  	v5 =	vld [tilespmem:s3+$0x4100]  }
0x85: {  	v6 =	vld [tilespmem:s3+$0x4180]  }
0x86: {  	v7 =	vld [tilespmem:s3+$0x9080];
	v1 =	vadd.f32 v1, v0  }
0x87: {  	v8 =	vld [tilespmem:s3+$0x5000];
	v3 =	vadd.f32 v3, v2  }
0x88: {  	v9 =	vld [tilespmem:s3+$0x5080];
	[tilespmem:s3+$0x11180] =	vst v1  }
0x89: {  	v1 =	vadd.f32 v4, v2;
	[tilespmem:s3+$0xE000] =	vst v3;
	v3 =	vld [tilespmem:s3+$0x5100]  }
0x8a: {  	v4 =	vadd.f32 v5, v2;
	v5 =	vld [tilespmem:s3+$0x5180];
	v2 =	vadd.f32 v6, v2  }
0x8b: {  	v6 =	vld [tilespmem:s3+$0x6000];
	[tilespmem:s3+$0xE080] =	vst v1  }
0x8c: {  	v1 =	vld [tilespmem:s3+$0x9100];
	[tilespmem:s3+$0xE180] =	vst v2;
	v2 =	vadd.f32 v8, v7  }
0x8d: {  	[tilespmem:s3+$0xE100] =	vst v4;
	v8 =	vld [tilespmem:s3+$0x6080]  }
0x8e: {  	v4 =	vld [tilespmem:s3+$0x6100];
	[tilespmem:s3+$0xF000] =	vst v2;
	v2 =	vadd.f32 v3, v7  }
0x8f: {  	v3 =	vld [tilespmem:s3+$0x6180];
	v5 =	vadd.f32 v5, v7  }
0x90: {  	s15 =	simm.s32 $0x10;
	s10 =	simm.s32 $0x40;
	v9 =	vadd.f32 v9, v7;
	[tilespmem:s3+$0xF100] =	vst v2;
	v2 =	vld [tilespmem:s3+$0x7000]  }
0x91: {  	s18 =	sadd.s32 s0, s6;
	s9 =	sand.u32 $0x70, s15;
	s15 =	sand.u32 $0xE00, s10;
	[tilespmem:s3+$0xF180] =	vst v5;
	v5 =	vld [tilespmem:s3+$0x7080];
	v7 =	vadd.f32 v6, v1  }
0x92: {  	s18 =	sadd.s32 $0x4, s18;
	s11 =	simm.s32 $0x20;
	s9 =	sor.u32 s9, s15;
	[tilespmem:s3+$0xF080] =	vst v9;
	v8 =	vadd.f32 v8, v1;
	v6 =	vld [tilespmem:s3+$0x7100]  }
.LBB2_5:
0x93: {  	p0 =	sne.s32 s11, $0x3F0;
	v9 =	vld [tilespmem:s9+$0x9180];
	[tilespmem:s3+$0x10000] =	vst v7;
	v4 =	vadd.f32 v4, v1  }
0x94: {  	v7 =	vld [tilespmem:s9+$0x7180];
	[tilespmem:s3+$0x10080] =	vst v8;
	v1 =	vadd.f32 v3, v1  }
0x95: {  	v3 =	vld [tilespmem:s9+$0x9000];
	[tilespmem:s3+$0x10100] =	vst v4;
	v2 =	vadd.f32 v2, v0  }
0x96: {  	v4 =	vld [tilespmem:s9+$0x4000];
	[tilespmem:s3+$0x10180] =	vst v1;
	v1 =	vadd.f32 v5, v0  }
0x97: {  	v5 =	vld [tilespmem:s9+$0x4080];
	[tilespmem:s3+$0x11000] =	vst v2;
	v2 =	vadd.f32 v6, v0  }
0x98: {  	v6 =	vld [tilespmem:s9+$0x4100];
	[tilespmem:s3+$0x11080] =	vst v1;
	v0 =	vmov v9  }
0x99: {  	v1 =	vld [tilespmem:s9+$0x4180];
	v7 =	vadd.f32 v7, v0;
	[tilespmem:s3+$0x11100] =	vst v2;
	s3 =	smov.u32 s9  }
0x9a: {  	v2 =	vld [tilespmem:s3+$0x9080]  }
0x9b: {  	v4 =	vadd.f32 v4, v3;
	v8 =	vld [tilespmem:s3+$0x5000];
	[tilespmem:s3+$0x11180] =	vst v7  }
0x9c: {  	v5 =	vadd.f32 v5, v3;
	v7 =	vld [tilespmem:s3+$0x5080]  }
0x9d: {  	[tilespmem:s3+$0xE000] =	vst v4;
	v4 =	vadd.f32 v6, v3;
	v6 =	vld [tilespmem:s3+$0x5100]  }
0x9e: {  	[tilespmem:s3+$0xE080] =	vst v5;
	v3 =	vadd.f32 v1, v3;
	v5 =	vld [tilespmem:s3+$0x5180]  }
0x9f: {  	[tilespmem:s3+$0xE100] =	vst v4;
	v1 =	vld [tilespmem:s3+$0x9100]  }
0xa0: {  	[tilespmem:s3+$0xE180] =	vst v3;
	v3 =	vadd.f32 v8, v2;
	v8 =	vld [tilespmem:s3+$0x6000]  }
0xa1: {  	v7 =	vadd.f32 v7, v2;
	v9 =	vld [tilespmem:s3+$0x6080]  }
.Ltmp3:
0xa2: {  	[tilespmem:s3+$0xF000] =	vst v3;
	v6 =	vadd.f32 v6, v2;
	v4 =	vld [tilespmem:s3+$0x6100];
	(pc) =	sbr.rel @p0 .LBB2_5-.Ltmp3, $4  }
0xa3: {  	[tilespmem:s3+$0xF080] =	vst v7;
	v5 =	vadd.f32 v5, v2;
	v3 =	vld [tilespmem:s3+$0x6180]  }
0xa4: {  	s10 =	sadd.s32 $0x40, s10;
	[tilespmem:s3+$0xF100] =	vst v6;
	v2 =	vld [tilespmem:s3+$0x7000]  }
0xa5: {  	s15 =	sand.u32 $0xE00, s10;
	s9 =	sand.u32 $0x70, s11;
	[tilespmem:s3+$0xF180] =	vst v5;
	v7 =	vadd.f32 v8, v1;
	v5 =	vld [tilespmem:s3+$0x7080]  }
0xa6: {  	s11 =	sadd.s32 $0x10, s11;
	s9 =	sor.u32 s9, s15;
	v8 =	vadd.f32 v9, v1;
	v6 =	vld [tilespmem:s3+$0x7100]  }
0xa7: {  	v9 =	vld [tilespmem:s9+$0x9180]  }
0xa8: {  	v10 =	vld [tilespmem:s9+$0x7180]  }
0xa9: {  	v11 =	vld [tilespmem:s9+$0x9000]  }
0xaa: {  	v12 =	vld [tilespmem:s9+$0x4000]  }
0xab: {  	v13 =	vld [tilespmem:s9+$0x4080];
	[tilespmem:s3+$0x10000] =	vst v7;
	v4 =	vadd.f32 v4, v1  }
0xac: {  	v14 =	vld [tilespmem:s9+$0x4100];
	[tilespmem:s3+$0x10080] =	vst v8;
	v48 =	vadd.f32 v3, v1  }
0xad: {  	v15 =	vld [tilespmem:s9+$0x4180];
	[tilespmem:s3+$0x10100] =	vst v4;
	v2 =	vadd.f32 v2, v0  }
0xae: {  	v16 =	vld [tilespmem:s9+$0x9080];
	[tilespmem:s3+$0x10180] =	vst v48;
	v53 =	vadd.f32 v5, v0  }
0xaf: {  	v17 =	vld [tilespmem:s9+$0x5000];
	[tilespmem:s3+$0x11000] =	vst v2;
	v55 =	vadd.f32 v6, v0  }
0xb0: {  	v40 =	vld [tilespmem:s9+$0x5080];
	v10 =	vadd.f32 v10, v9;
	[tilespmem:s3+$0x11080] =	vst v53  }
0xb1: {  	v41 =	vld [tilespmem:s9+$0x5100];
	v12 =	vadd.f32 v12, v11;
	[tilespmem:s3+$0x11100] =	vst v55  }
0xb2: {  	v42 =	vld [tilespmem:s9+$0x5180];
	v13 =	vadd.f32 v13, v11;
	[tilespmem:s9+$0x11180] =	vst v10  }
0xb3: {  	v43 =	vld [tilespmem:s9+$0x9100];
	v14 =	vadd.f32 v14, v11;
	[tilespmem:s9+$0xE000] =	vst v12  }
0xb4: {  	v45 =	vld [tilespmem:s9+$0x6000];
	v11 =	vadd.f32 v15, v11;
	[tilespmem:s9+$0xE080] =	vst v13  }
0xb5: {  	v46 =	vld [tilespmem:s9+$0x6080];
	v44 =	vadd.f32 v17, v16;
	[tilespmem:s9+$0xE100] =	vst v14  }
0xb6: {  	v49 =	vld [tilespmem:s9+$0x6100];
	v47 =	vadd.f32 v40, v16;
	[tilespmem:s9+$0xE180] =	vst v11  }
0xb7: {  	v51 =	vld [tilespmem:s9+$0x6180];
	v50 =	vadd.f32 v41, v16;
	[tilespmem:s9+$0xF000] =	vst v44  }
0xb8: {  	v54 =	vld [tilespmem:s9+$0x7000];
	v52 =	vadd.f32 v42, v16;
	[tilespmem:s9+$0xF080] =	vst v47  }
0xb9: {  	v57 =	vld [tilespmem:s9+$0x7080];
	v56 =	vadd.f32 v45, v43;
	[tilespmem:s9+$0xF100] =	vst v50  }
0xba: {  	v59 =	vld [tilespmem:s9+$0x7100];
	v58 =	vadd.f32 v46, v43;
	[tilespmem:s9+$0xF180] =	vst v52  }
0xbb: {  	v3 =	vadd.f32 v49, v43;
	[tilespmem:s9+$0x10000] =	vst v56  }
0xbc: {  	v60 =	vadd.f32 v51, v43;
	[tilespmem:s9+$0x10080] =	vst v58  }
0xbd: {  	v61 =	vadd.f32 v54, v9;
	[tilespmem:s9+$0x10100] =	vst v3  }
.Ltmp4:
0xbe: {  	v62 =	vadd.f32 v57, v9;
	[tilespmem:s9+$0x10180] =	vst v60;
	(pc) =	sbr.rel @p1 .LBB2_8-.Ltmp4, $4  }
0xbf: {  	v63 =	vadd.f32 v59, v9;
	[tilespmem:s9+$0x11000] =	vst v61  }
0xc0: {  	s18 =	sshll.u32 s18, $0x9;
	[tilespmem:s9+$0x11080] =	vst v62  }
0xc1: {  	s3 =	sadd.s32 s4, s18;
	[tilespmem:s9+$0x11100] =	vst v63  }
0xc2: {  	[hbm4b:s3+s5] =	stream.linear.scatter [tilespmem:s26], [sflag:$0x6], $0x4000, $0x38;
	[tilespmem:$0x12000] =	vst v63  }
0xc3: {  	s0 =	sadd.s32 s0, s14  }
.Ltmp5:
0xc4: {  	s3 =	sshll.u32 s0, $0x9;
	s0 =	sshll.u32 s0, $0x7;
	(pc) =	sbr.rel .LBB2_2-.Ltmp5, $4  }
0xc5: {  	s3 =	sadd.s32 s1, s3;
	s0 =	sand.u32 $0x7FC00, s0  }
0xc6: {  	[tilespmem:s19], [sflag:$0x2] =	stream.linear.gather [hbm4b:s3+s5], $0x4000, $0x38;
	[tilespmem:$0x12000] =	vst v63  }
0xc7: {  	s31 =	sadd.s32 $0x1, s31;
	s0 =	sadd.s32 s0, s8  }
0xc8: {  	[tilespmem:s20], [sflag:$0x4] =	stream.strided.gather [hbm4b:s0+s16], $0x1000, s17, s16, $0x38;
	[tilespmem:$0x12000] =	vst v63  }
.LBB2_9:
0xc9: {  	_ =	sfence.sel $0x180000  }
0xca: {  	[bflag:$0x0] =	sbarrier.arrive $0xFFFF  }
0xcb: {  	_ =	strace $0x90000047  }
0xcc: {  	s0 =	stileid.u32;
	[bflag:$0x2] =	sbarrier.arrive $0xFFFF  }
0xcd: {  	p0 =	sne.s32 s0, $0x0;
	s0 =	rddreg [dreg:$0x3]  }
0xce: {  	s0 =	sadd.s32 @!p0 $0x100000, s0  }
0xcf: {  	[sflag:s0] =	ssyncadd.tile.s32 @!p0 $0x1;
	_ =	shalt  }
.Lfunc_end2:
_tile_overlayer_lowered:
.L_overlay_start_2:
0xd0: {  	(tag) =	ssettag $0x2  }
0xd1: {  	s0 =	rddreg [dreg:$0x0];
	s2 =	stileid.u32  }
0xd2: {  	s1 =	rddreg [dreg:$0x1];
	p0 =	sne.s32 s2, $0x0  }
0xd3: {  	s3 =	rddreg [dreg:$0x2];
	[bflag:$0x3] =	sbarrier.arrive $0xFFFF;
	s2 =	simm.s32 @!p0 $0x1C07  }
0xd4: {  	[timem:s3], [sflag:s2] =	dma.local @!p0 [hbm:s0], s1  }
0xd5: {  	s0 =	simm.s32 @!p0 $0x7  }
0xd6: {  	_ =	swait.ge @!p0 [sflag:s0], s1  }
0xd7: {  	s1 =	ssub.s32 @!p0 $0x0, s1;
	[sflag:s0] =	ssyncset.done @!p0 $0x0  }
0xd8: {  	[sflag:s0] =	ssyncadd.s32 @!p0 s1  }
0xd9: {  	[bflag:$0x3] =	sbarrier.arrive $0xFFFF  }
0xda: {  	_ =	shalt  }

</sc_bundles>
